<compile_context>
chip_gen: v7x
topology: tpu7x:2x2x1
jax: 0.10.2.dev20260603
libtpu: 0.0.44.dev20260713+nightly
codegen_flags: <defaults>
</compile_context>

<pallas_src>
import functools

import jax
import jax.numpy as jnp
from jax import lax
from jax.experimental import pallas as pl
from jax.experimental.pallas import tpu as pltpu
from jax.experimental.pallas import tpu_sc as plsc

N = 1_000_000
NSEG = 8192
NS = 16
CHUNK = 62592
LAST_LEN = N - 15 * CHUNK
TAB = 8704
PER_W = TAB // NS
IMAX = 2147483647

_mesh = plsc.VectorSubcoreMesh(core_axis_name="c", subcore_axis_name="s",
                               num_cores=1)


@functools.partial(
    pl.kernel,
    mesh=_mesh,
    compiler_params=pltpu.CompilerParams(needs_layout_passes=False,
                                         use_tc_tiling_on_sc=False),
    out_type=jax.ShapeDtypeStruct((TAB,), jnp.int32),
    scratch_types=[
        pltpu.VMEM((CHUNK + 32,), jnp.int32),
        pltpu.VMEM((TAB,), jnp.int32),
        pltpu.VMEM((TAB,), jnp.int32),
        pltpu.VMEM((NS * PER_W,), jnp.int32),
        pltpu.VMEM((NS * PER_W,), jnp.int32),
        pltpu.VMEM((PER_W,), jnp.int32),
        pltpu.VMEM_SHARED((NS * TAB,), jnp.int32),
        pltpu.VMEM_SHARED((NS * TAB,), jnp.int32),
    ],
)
def _sc_sample(batch_hbm, out_hbm, buf, first_tab, last_tab, mg_f, mg_l,
               out_v, shared_f, shared_l):
    wid = lax.axis_index("s")
    base = wid * CHUNK
    iota = lax.iota(jnp.int32, 16)

    @pl.when(wid == 0)
    def _():
        pltpu.sync_copy(batch_hbm.at[pl.ds(0, CHUNK)],
                        buf.at[pl.ds(16, CHUNK)])
        buf[0:16] = jnp.full((16,), -1, jnp.int32)

    @pl.when((wid > 0) & (wid < NS - 1))
    def _():
        pltpu.sync_copy(batch_hbm.at[pl.ds(base - 16, CHUNK + 16)],
                        buf.at[pl.ds(0, CHUNK + 16)])

    @pl.when(wid == NS - 1)
    def _():
        pltpu.sync_copy(batch_hbm.at[pl.ds((NS - 1) * CHUNK - 16,
                                           LAST_LEN + 16)],
                        buf.at[pl.ds(0, LAST_LEN + 16)])
        buf[pl.ds(LAST_LEN + 16, 16)] = jnp.full((16,), NSEG, jnp.int32)

    def init_body(k, _):
        for u in range(4):
            first_tab[pl.ds(k * 64 + u * 16, 16)] = jnp.full((16,), IMAX,
                                                             jnp.int32)
            last_tab[pl.ds(k * 64 + u * 16, 16)] = jnp.full((16,), -1,
                                                            jnp.int32)
        return 0
    lax.fori_loop(0, TAB // 64, init_body, 0)

    limit = jnp.where(wid == NS - 1, LAST_LEN + 1, CHUNK).astype(jnp.int32)

    @plsc.parallel_loop(0, CHUNK // 16, unroll=8)
    def _scan(j):
        off = j * 16
        cur = buf[pl.ds(off + 16, 16)]
        prev = plsc.load_gather(buf, [iota + (off + 15)])
        lpos = iota + off
        pos = lpos + base
        m = (cur != prev) & (lpos < limit)
        plsc.store_scatter(first_tab, [cur], pos, mask=m)
        plsc.store_scatter(last_tab, [prev], pos - 1, mask=m & (prev >= 0))

    pltpu.sync_copy(first_tab, shared_f.at[pl.ds(wid * TAB, TAB)])
    pltpu.sync_copy(last_tab, shared_l.at[pl.ds(wid * TAB, TAB)])
    plsc.subcore_barrier()

    col = wid * PER_W
    for w in range(NS):
        pltpu.sync_copy(shared_f.at[pl.ds(w * TAB + col, PER_W)],
                        mg_f.at[pl.ds(w * PER_W, PER_W)])
        pltpu.sync_copy(shared_l.at[pl.ds(w * TAB + col, PER_W)],
                        mg_l.at[pl.ds(w * PER_W, PER_W)])

    def samp_body(k, _):
        accf = jnp.full((16,), IMAX, jnp.int32)
        accl = jnp.full((16,), -1, jnp.int32)
        for w in range(NS):
            accf = jnp.minimum(accf, mg_f[pl.ds(w * PER_W + k * 16, 16)])
            accl = jnp.maximum(accl, mg_l[pl.ds(w * PER_W + k * 16, 16)])
        seg = col + k * 16 + iota
        empty = accf == IMAX
        cnt = jnp.maximum(accl - accf + 1, 1)
        x = (seg * jnp.int32(-1640531527)) ^ accf
        x = x ^ lax.shift_right_logical(x, 16)
        x = x * jnp.int32(-2048144789)
        x = x ^ lax.shift_right_logical(x, 13)
        x = x * jnp.int32(-1028477387)
        x = x ^ lax.shift_right_logical(x, 16)
        off = lax.rem(x & jnp.int32(0x7FFFFFFF), cnt)
        out_v[pl.ds(k * 16, 16)] = jnp.where(empty, IMAX, accf + off)
        return 0
    lax.fori_loop(0, PER_W // 16, samp_body, 0)

    pltpu.sync_copy(out_v, out_hbm.at[pl.ds(col, PER_W)])


def kernel(batch, prob):
    del prob
    out = _sc_sample(batch)
    return (out[:NSEG], 0, 0)

# --- scband reference (transcript-rebuilt; emitter-appended) ---
"""Pipeline reference for scband-random-anchor-56152402428608 (READ-ONLY COPY).

The authoritative reference and input builder live on the scoring server;
editing this copy changes nothing except your own understanding.
"""

import jax, jax.numpy as jnp
import numpy as np

N = 1000000
B = 8192

def setup_inputs(seed: int = 0) -> dict:
    key = jax.random.key(seed)
    k1, k2 = jax.random.split(key)
    batch = jnp.sort(jax.random.randint(k1, (N,), 0, B))
    # prob is constructed inside the original forward as torch.ones_like(batch, dtype=float);
    # we materialize it here so the reference signature is explicit.
    prob = jnp.ones((N,), dtype=jnp.float32)
    return {"batch": batch, "prob": prob}


def multinomial_sample_batch(prob, batch, num_segments, key):
    # Sample one index per batch segment ~ Multinomial(prob restricted to segment),
    # implemented with the Gumbel-max trick + segment reductions (SparseCore friendly).
    u = jax.random.uniform(key, prob.shape, minval=1e-20, maxval=1.0)
    gumbel = -jnp.log(-jnp.log(u))
    score = jnp.log(prob) + gumbel
    seg_max = jax.ops.segment_max(score, batch, num_segments=num_segments)
    idx = jnp.arange(prob.shape[0])
    # first index in each segment achieving the segment max == the argmax sample
    cand = jnp.where(score >= seg_max[batch], idx, prob.shape[0])
    rawsample = jax.ops.segment_min(cand, batch, num_segments=num_segments)
    return rawsample


def reference(batch, prob):
    # forward: prob = ones_like(batch); rawsample = multinomial_sample_batch(prob, batch)
    key = jax.random.key(42)
    rawsample = multinomial_sample_batch(prob, batch, B, key)
    return (rawsample, 0, 0)

if __name__ == "__main__":
    import jax
    _d = setup_inputs()
    print(jax.jit(kernel)(*tuple(_d.values())))

</pallas_src>

<mosaic_0001>
#map = affine_map<(d0, d1) -> (0)>
module attributes {stable_mosaic.version = 14 : i64} {
  func.func @_sc_sample(%arg0: i32, %arg1: i32, %arg2: memref<1000000xi32, #tpu.memory_space<hbm>>, %arg3: memref<8704xi32, #tpu.memory_space<hbm>>, %arg4: memref<62624xi32, #tpu.memory_space<vmem>>, %arg5: memref<8704xi32, #tpu.memory_space<vmem>>, %arg6: memref<8704xi32, #tpu.memory_space<vmem>>, %arg7: memref<8704xi32, #tpu.memory_space<vmem>>, %arg8: memref<8704xi32, #tpu.memory_space<vmem>>, %arg9: memref<544xi32, #tpu.memory_space<vmem>>, %arg10: memref<139264xi32, #tpu.memory_space<vmem_shared>>, %arg11: memref<139264xi32, #tpu.memory_space<vmem_shared>>) attributes {dimension_semantics = [#tpu.dimension_semantics<core_parallel>, #tpu.dimension_semantics<subcore_parallel>], iteration_bounds = array<i64: 1, 16>, scalar_prefetch = 0 : i64, scratch_operands = 8 : i64, tpu.core_type = #tpu.core_type<sc_vector_subcore>, window_params = [{transform_indices = #map}, {transform_indices = #map}]} {
    %mul3A = arith.constant 62592 : i32
    %mul3A_0 = arith.muli %arg1, %mul3A : i32
    %iota3A = tpu.iota {dimensions = array<i32: 0>} : vector<16xi32>
    %eq3A = arith.constant 0 : i32
    %eq3A_1 = arith.cmpi eq, %arg1, %eq3A : i32
    %convert_element_type3A = arith.extui %eq3A_1 : i1 to i32
    %cond3A = arith.constant 0 : i32
    %cond3A_2 = arith.cmpi ne, %convert_element_type3A, %cond3A : i32
    scf.if %cond3A_2 {
      "tpu.region"() ({
        %run_scoped3A = tpu.sem_alloc : memref<!tpu.dma_semaphore, #tpu.memory_space<semaphore_mem>>
        %dma_start3A = arith.constant 16 : i32
        %dma_start3A_102 = tpu.memref_slice %arg4[%dma_start3A] : memref<62624xi32, #tpu.memory_space<vmem>> -> memref<62592xi32, #tpu.memory_space<vmem>>
        %dma_start3A_103 = arith.constant 0 : i32
        %dma_start3A_104 = tpu.memref_slice %arg2[%dma_start3A_103] : memref<1000000xi32, #tpu.memory_space<hbm>> -> memref<62592xi32, #tpu.memory_space<hbm>>
        %dma_start3A_105 = arith.constant 16 : i32
        %dma_start3A_106 = tpu.memref_slice %arg4[%dma_start3A_105] : memref<62624xi32, #tpu.memory_space<vmem>> -> memref<62592xi32, #tpu.memory_space<vmem>>
        %dma_start3A_107 = arith.constant 0 : i32
        %dma_start3A_108 = tpu.memref_slice %arg2[%dma_start3A_107] : memref<1000000xi32, #tpu.memory_space<hbm>> -> memref<62592xi32, #tpu.memory_space<hbm>>
        tpu.enqueue_dma source(%dma_start3A_108 : memref<62592xi32, #tpu.memory_space<hbm>>) target(%dma_start3A_106 : memref<62592xi32, #tpu.memory_space<vmem>>) target_semaphore(%run_scoped3A : memref<!tpu.dma_semaphore, #tpu.memory_space<semaphore_mem>>)
        %dma_wait3A = arith.constant 16 : i32
        %dma_wait3A_109 = tpu.memref_slice %arg4[%dma_wait3A] : memref<62624xi32, #tpu.memory_space<vmem>> -> memref<62592xi32, #tpu.memory_space<vmem>>
        %dma_wait3A_110 = arith.constant 0 : i32
        %dma_wait3A_111 = tpu.memref_slice %arg2[%dma_wait3A_110] : memref<1000000xi32, #tpu.memory_space<hbm>> -> memref<62592xi32, #tpu.memory_space<hbm>>
        %dma_wait3A_112 = arith.constant 16 : i32
        %dma_wait3A_113 = tpu.memref_slice %arg4[%dma_wait3A_112] : memref<62624xi32, #tpu.memory_space<vmem>> -> memref<62592xi32, #tpu.memory_space<vmem>>
        %dma_wait3A_114 = arith.constant 0 : i32
        %dma_wait3A_115 = tpu.memref_slice %arg2[%dma_wait3A_114] : memref<1000000xi32, #tpu.memory_space<hbm>> -> memref<62592xi32, #tpu.memory_space<hbm>>
        tpu.wait_dma2 semaphore(%run_scoped3A : memref<!tpu.dma_semaphore, #tpu.memory_space<semaphore_mem>>) src(%dma_wait3A_115 : memref<62592xi32, #tpu.memory_space<hbm>>) dst(%dma_wait3A_113 : memref<62592xi32, #tpu.memory_space<vmem>>)
        tpu.yield
      }) : () -> ()
      %broadcast_in_dim3A = arith.constant -1 : i32
      %broadcast_in_dim3A_100 = vector.broadcast %broadcast_in_dim3A : i32 to vector<16xi32>
      %swap3A = arith.constant 0 : index
      %swap3A_101 = tpu.vector_load %arg4[%swap3A] {strides = array<i32>} : memref<62624xi32, #tpu.memory_space<vmem>>, vector<16xi32>,
      tpu.vector_store %arg4[%swap3A], %broadcast_in_dim3A_100 {strides = array<i32>} : memref<62624xi32, #tpu.memory_space<vmem>>, vector<16xi32>,
    } else {
    }
    %gt3A = arith.constant 0 : i32
    %gt3A_3 = arith.cmpi sgt, %arg1, %gt3A : i32
    %lt3A = arith.constant 15 : i32
    %lt3A_4 = arith.cmpi slt, %arg1, %lt3A : i32
    %and3A = arith.andi %gt3A_3, %lt3A_4 : i1
    %convert_element_type3A_5 = arith.extui %and3A : i1 to i32
    %cond3A_6 = arith.constant 0 : i32
    %cond3A_7 = arith.cmpi ne, %convert_element_type3A_5, %cond3A_6 : i32
    scf.if %cond3A_7 {
      %sub3A = arith.constant 16 : i32
      %sub3A_100 = arith.subi %mul3A_0, %sub3A : i32
      "tpu.region"() ({
        %run_scoped3A = tpu.sem_alloc : memref<!tpu.dma_semaphore, #tpu.memory_space<semaphore_mem>>
        %dma_start3A = arith.constant 0 : i32
        %dma_start3A_101 = tpu.memref_slice %arg4[%dma_start3A] : memref<62624xi32, #tpu.memory_space<vmem>> -> memref<62608xi32, #tpu.memory_space<vmem>>
        %dma_start3A_102 = tpu.memref_slice %arg2[%sub3A_100] : memref<1000000xi32, #tpu.memory_space<hbm>> -> memref<62608xi32, #tpu.memory_space<hbm>>
        %dma_start3A_103 = arith.constant 0 : i32
        %dma_start3A_104 = tpu.memref_slice %arg4[%dma_start3A_103] : memref<62624xi32, #tpu.memory_space<vmem>> -> memref<62608xi32, #tpu.memory_space<vmem>>
        %dma_start3A_105 = tpu.memref_slice %arg2[%sub3A_100] : memref<1000000xi32, #tpu.memory_space<hbm>> -> memref<62608xi32, #tpu.memory_space<hbm>>
        tpu.enqueue_dma source(%dma_start3A_105 : memref<62608xi32, #tpu.memory_space<hbm>>) target(%dma_start3A_104 : memref<62608xi32, #tpu.memory_space<vmem>>) target_semaphore(%run_scoped3A : memref<!tpu.dma_semaphore, #tpu.memory_space<semaphore_mem>>)
        %dma_wait3A = arith.constant 0 : i32
        %dma_wait3A_106 = tpu.memref_slice %arg4[%dma_wait3A] : memref<62624xi32, #tpu.memory_space<vmem>> -> memref<62608xi32, #tpu.memory_space<vmem>>
        %dma_wait3A_107 = tpu.memref_slice %arg2[%sub3A_100] : memref<1000000xi32, #tpu.memory_space<hbm>> -> memref<62608xi32, #tpu.memory_space<hbm>>
        %dma_wait3A_108 = arith.constant 0 : i32
        %dma_wait3A_109 = tpu.memref_slice %arg4[%dma_wait3A_108] : memref<62624xi32, #tpu.memory_space<vmem>> -> memref<62608xi32, #tpu.memory_space<vmem>>
        %dma_wait3A_110 = tpu.memref_slice %arg2[%sub3A_100] : memref<1000000xi32, #tpu.memory_space<hbm>> -> memref<62608xi32, #tpu.memory_space<hbm>>
        tpu.wait_dma2 semaphore(%run_scoped3A : memref<!tpu.dma_semaphore, #tpu.memory_space<semaphore_mem>>) src(%dma_wait3A_110 : memref<62608xi32, #tpu.memory_space<hbm>>) dst(%dma_wait3A_109 : memref<62608xi32, #tpu.memory_space<vmem>>)
        tpu.yield
      }) : () -> ()
    } else {
    }
    %eq3A_8 = arith.constant 15 : i32
    %eq3A_9 = arith.cmpi eq, %arg1, %eq3A_8 : i32
    %convert_element_type3A_10 = arith.extui %eq3A_9 : i1 to i32
    %cond3A_11 = arith.constant 0 : i32
    %cond3A_12 = arith.cmpi ne, %convert_element_type3A_10, %cond3A_11 : i32
    scf.if %cond3A_12 {
      "tpu.region"() ({
        %run_scoped3A = tpu.sem_alloc : memref<!tpu.dma_semaphore, #tpu.memory_space<semaphore_mem>>
        %dma_start3A = arith.constant 0 : i32
        %dma_start3A_102 = tpu.memref_slice %arg4[%dma_start3A] : memref<62624xi32, #tpu.memory_space<vmem>> -> memref<61136xi32, #tpu.memory_space<vmem>>
        %dma_start3A_103 = arith.constant 938864 : i32
        %dma_start3A_104 = tpu.memref_slice %arg2[%dma_start3A_103] : memref<1000000xi32, #tpu.memory_space<hbm>> -> memref<61136xi32, #tpu.memory_space<hbm>>
        %dma_start3A_105 = arith.constant 0 : i32
        %dma_start3A_106 = tpu.memref_slice %arg4[%dma_start3A_105] : memref<62624xi32, #tpu.memory_space<vmem>> -> memref<61136xi32, #tpu.memory_space<vmem>>
        %dma_start3A_107 = arith.constant 938864 : i32
        %dma_start3A_108 = tpu.memref_slice %arg2[%dma_start3A_107] : memref<1000000xi32, #tpu.memory_space<hbm>> -> memref<61136xi32, #tpu.memory_space<hbm>>
        tpu.enqueue_dma source(%dma_start3A_108 : memref<61136xi32, #tpu.memory_space<hbm>>) target(%dma_start3A_106 : memref<61136xi32, #tpu.memory_space<vmem>>) target_semaphore(%run_scoped3A : memref<!tpu.dma_semaphore, #tpu.memory_space<semaphore_mem>>)
        %dma_wait3A = arith.constant 0 : i32
        %dma_wait3A_109 = tpu.memref_slice %arg4[%dma_wait3A] : memref<62624xi32, #tpu.memory_space<vmem>> -> memref<61136xi32, #tpu.memory_space<vmem>>
        %dma_wait3A_110 = arith.constant 938864 : i32
        %dma_wait3A_111 = tpu.memref_slice %arg2[%dma_wait3A_110] : memref<1000000xi32, #tpu.memory_space<hbm>> -> memref<61136xi32, #tpu.memory_space<hbm>>
        %dma_wait3A_112 = arith.constant 0 : i32
        %dma_wait3A_113 = tpu.memref_slice %arg4[%dma_wait3A_112] : memref<62624xi32, #tpu.memory_space<vmem>> -> memref<61136xi32, #tpu.memory_space<vmem>>
        %dma_wait3A_114 = arith.constant 938864 : i32
        %dma_wait3A_115 = tpu.memref_slice %arg2[%dma_wait3A_114] : memref<1000000xi32, #tpu.memory_space<hbm>> -> memref<61136xi32, #tpu.memory_space<hbm>>
        tpu.wait_dma2 semaphore(%run_scoped3A : memref<!tpu.dma_semaphore, #tpu.memory_space<semaphore_mem>>) src(%dma_wait3A_115 : memref<61136xi32, #tpu.memory_space<hbm>>) dst(%dma_wait3A_113 : memref<61136xi32, #tpu.memory_space<vmem>>)
        tpu.yield
      }) : () -> ()
      %broadcast_in_dim3A = arith.constant 8192 : i32
      %broadcast_in_dim3A_100 = vector.broadcast %broadcast_in_dim3A : i32 to vector<16xi32>
      %swap3A = arith.constant 61136 : index
      %swap3A_101 = tpu.vector_load %arg4[%swap3A] {strides = array<i32>} : memref<62624xi32, #tpu.memory_space<vmem>>, vector<16xi32>,
      tpu.vector_store %arg4[%swap3A], %broadcast_in_dim3A_100 {strides = array<i32>} : memref<62624xi32, #tpu.memory_space<vmem>>, vector<16xi32>,
    } else {
    }
    %scan3A = arith.constant 0 : i32
    %scan3A_13 = arith.constant 0 : i32
    %scan3A_14 = arith.constant 136 : i32
    %scan3A_15 = arith.addi %scan3A_13, %scan3A_14 : i32
    %scan3A_16 = arith.constant 1 : i32
    %scan3A_17 = scf.for %scan3A_100 = %scan3A_13 to %scan3A_15 step %scan3A_16 iter_args(%scan3A_101 = %scan3A) -> (i32)  : i32 {
      %broadcast_in_dim3A = arith.constant 2147483647 : i32
      %broadcast_in_dim3A_102 = vector.broadcast %broadcast_in_dim3A : i32 to vector<16xi32>
      %mul3A_103 = arith.constant 64 : i32
      %mul3A_104 = arith.muli %scan3A_100, %mul3A_103 : i32
      %add3A_105 = arith.constant 0 : i32
      %add3A_106 = arith.addi %mul3A_104, %add3A_105 : i32
      %swap3A = arith.index_cast %add3A_106 : i32 to index
      %swap3A_107 = tpu.vector_load %arg5[%swap3A] {strides = array<i32>} : memref<8704xi32, #tpu.memory_space<vmem>>, vector<16xi32>,
      tpu.vector_store %arg5[%swap3A], %broadcast_in_dim3A_102 {strides = array<i32>} : memref<8704xi32, #tpu.memory_space<vmem>>, vector<16xi32>,
      %broadcast_in_dim3A_108 = arith.constant -1 : i32
      %broadcast_in_dim3A_109 = vector.broadcast %broadcast_in_dim3A_108 : i32 to vector<16xi32>
      %mul3A_110 = arith.constant 64 : i32
      %mul3A_111 = arith.muli %scan3A_100, %mul3A_110 : i32
      %add3A_112 = arith.constant 0 : i32
      %add3A_113 = arith.addi %mul3A_111, %add3A_112 : i32
      %swap3A_114 = arith.index_cast %add3A_113 : i32 to index
      %swap3A_115 = tpu.vector_load %arg6[%swap3A_114] {strides = array<i32>} : memref<8704xi32, #tpu.memory_space<vmem>>, vector<16xi32>,
      tpu.vector_store %arg6[%swap3A_114], %broadcast_in_dim3A_109 {strides = array<i32>} : memref<8704xi32, #tpu.memory_space<vmem>>, vector<16xi32>,
      %broadcast_in_dim3A_116 = arith.constant 2147483647 : i32
      %broadcast_in_dim3A_117 = vector.broadcast %broadcast_in_dim3A_116 : i32 to vector<16xi32>
      %mul3A_118 = arith.constant 64 : i32
      %mul3A_119 = arith.muli %scan3A_100, %mul3A_118 : i32
      %add3A_120 = arith.constant 16 : i32
      %add3A_121 = arith.addi %mul3A_119, %add3A_120 : i32
      %swap3A_122 = arith.index_cast %add3A_121 : i32 to index
      %swap3A_123 = tpu.vector_load %arg5[%swap3A_122] {strides = array<i32>} : memref<8704xi32, #tpu.memory_space<vmem>>, vector<16xi32>,
      tpu.vector_store %arg5[%swap3A_122], %broadcast_in_dim3A_117 {strides = array<i32>} : memref<8704xi32, #tpu.memory_space<vmem>>, vector<16xi32>,
      %broadcast_in_dim3A_124 = arith.constant -1 : i32
      %broadcast_in_dim3A_125 = vector.broadcast %broadcast_in_dim3A_124 : i32 to vector<16xi32>
      %mul3A_126 = arith.constant 64 : i32
      %mul3A_127 = arith.muli %scan3A_100, %mul3A_126 : i32
      %add3A_128 = arith.constant 16 : i32
      %add3A_129 = arith.addi %mul3A_127, %add3A_128 : i32
      %swap3A_130 = arith.index_cast %add3A_129 : i32 to index
      %swap3A_131 = tpu.vector_load %arg6[%swap3A_130] {strides = array<i32>} : memref<8704xi32, #tpu.memory_space<vmem>>, vector<16xi32>,
      tpu.vector_store %arg6[%swap3A_130], %broadcast_in_dim3A_125 {strides = array<i32>} : memref<8704xi32, #tpu.memory_space<vmem>>, vector<16xi32>,
      %broadcast_in_dim3A_132 = arith.constant 2147483647 : i32
      %broadcast_in_dim3A_133 = vector.broadcast %broadcast_in_dim3A_132 : i32 to vector<16xi32>
      %mul3A_134 = arith.constant 64 : i32
      %mul3A_135 = arith.muli %scan3A_100, %mul3A_134 : i32
      %add3A_136 = arith.constant 32 : i32
      %add3A_137 = arith.addi %mul3A_135, %add3A_136 : i32
      %swap3A_138 = arith.index_cast %add3A_137 : i32 to index
      %swap3A_139 = tpu.vector_load %arg5[%swap3A_138] {strides = array<i32>} : memref<8704xi32, #tpu.memory_space<vmem>>, vector<16xi32>,
      tpu.vector_store %arg5[%swap3A_138], %broadcast_in_dim3A_133 {strides = array<i32>} : memref<8704xi32, #tpu.memory_space<vmem>>, vector<16xi32>,
      %broadcast_in_dim3A_140 = arith.constant -1 : i32
      %broadcast_in_dim3A_141 = vector.broadcast %broadcast_in_dim3A_140 : i32 to vector<16xi32>
      %mul3A_142 = arith.constant 64 : i32
      %mul3A_143 = arith.muli %scan3A_100, %mul3A_142 : i32
      %add3A_144 = arith.constant 32 : i32
      %add3A_145 = arith.addi %mul3A_143, %add3A_144 : i32
      %swap3A_146 = arith.index_cast %add3A_145 : i32 to index
      %swap3A_147 = tpu.vector_load %arg6[%swap3A_146] {strides = array<i32>} : memref<8704xi32, #tpu.memory_space<vmem>>, vector<16xi32>,
      tpu.vector_store %arg6[%swap3A_146], %broadcast_in_dim3A_141 {strides = array<i32>} : memref<8704xi32, #tpu.memory_space<vmem>>, vector<16xi32>,
      %broadcast_in_dim3A_148 = arith.constant 2147483647 : i32
      %broadcast_in_dim3A_149 = vector.broadcast %broadcast_in_dim3A_148 : i32 to vector<16xi32>
      %mul3A_150 = arith.constant 64 : i32
      %mul3A_151 = arith.muli %scan3A_100, %mul3A_150 : i32
      %add3A_152 = arith.constant 48 : i32
      %add3A_153 = arith.addi %mul3A_151, %add3A_152 : i32
      %swap3A_154 = arith.index_cast %add3A_153 : i32 to index
      %swap3A_155 = tpu.vector_load %arg5[%swap3A_154] {strides = array<i32>} : memref<8704xi32, #tpu.memory_space<vmem>>, vector<16xi32>,
      tpu.vector_store %arg5[%swap3A_154], %broadcast_in_dim3A_149 {strides = array<i32>} : memref<8704xi32, #tpu.memory_space<vmem>>, vector<16xi32>,
      %broadcast_in_dim3A_156 = arith.constant -1 : i32
      %broadcast_in_dim3A_157 = vector.broadcast %broadcast_in_dim3A_156 : i32 to vector<16xi32>
      %mul3A_158 = arith.constant 64 : i32
      %mul3A_159 = arith.muli %scan3A_100, %mul3A_158 : i32
      %add3A_160 = arith.constant 48 : i32
      %add3A_161 = arith.addi %mul3A_159, %add3A_160 : i32
      %swap3A_162 = arith.index_cast %add3A_161 : i32 to index
      %swap3A_163 = tpu.vector_load %arg6[%swap3A_162] {strides = array<i32>} : memref<8704xi32, #tpu.memory_space<vmem>>, vector<16xi32>,
      tpu.vector_store %arg6[%swap3A_162], %broadcast_in_dim3A_157 {strides = array<i32>} : memref<8704xi32, #tpu.memory_space<vmem>>, vector<16xi32>,
      %scan3A_164 = arith.constant 0 : i32
      scf.yield %scan3A_164 : i32
    }
    %scan3A_18 = arith.constant 136 : i32
    %eq3A_19 = arith.constant 15 : i32
    %eq3A_20 = arith.cmpi eq, %arg1, %eq3A_19 : i32
    %jit3A = arith.constant 61121 : i32
    %jit3A_21 = arith.constant 62592 : i32
    %select_n3A = arith.select %eq3A_20, %jit3A, %jit3A_21 : i32
    %parallel_loop3A = arith.constant 0 : i32
    %parallel_loop3A_22 = arith.constant 3912 : i32
    %parallel_loop3A_23 = arith.constant 1 : i32
    scf.for %parallel_loop3A_100 = %parallel_loop3A to %parallel_loop3A_22 step %parallel_loop3A_23  : i32 {
      %parallel_loop3A_101 = arith.constant 16 : i32
      %parallel_loop3A_102 = arith.muli %parallel_loop3A_100, %parallel_loop3A_101 : i32
      %parallel_loop3A_103 = arith.constant 16 : i32
      %parallel_loop3A_104 = arith.addi %parallel_loop3A_102, %parallel_loop3A_103 : i32
      %parallel_loop3A_105 = arith.index_cast %parallel_loop3A_104 : i32 to index
      %parallel_loop3A_106 = tpu.vector_load %arg4[%parallel_loop3A_105] {strides = array<i32>} : memref<62624xi32, #tpu.memory_space<vmem>>, vector<16xi32>,
      %parallel_loop3A_107 = arith.constant 15 : i32
      %parallel_loop3A_108 = arith.addi %parallel_loop3A_102, %parallel_loop3A_107 : i32
      %parallel_loop3A_109 = vector.broadcast %parallel_loop3A_108 : i32 to vector<16xi32>
      %parallel_loop3A_110 = arith.addi %iota3A, %parallel_loop3A_109 : vector<16xi32>
      %parallel_loop3A_111 = tpu.vector_load_idx %arg4[%parallel_loop3A_110] : memref<62624xi32, #tpu.memory_space<vmem>>[vector<16xi32>], vector<16xi32>,
      %parallel_loop3A_112 = vector.broadcast %parallel_loop3A_102 : i32 to vector<16xi32>
      %parallel_loop3A_113 = arith.addi %iota3A, %parallel_loop3A_112 : vector<16xi32>
      %parallel_loop3A_114 = vector.broadcast %mul3A_0 : i32 to vector<16xi32>
      %parallel_loop3A_115 = arith.addi %parallel_loop3A_113, %parallel_loop3A_114 : vector<16xi32>
      %parallel_loop3A_116 = arith.cmpi ne, %parallel_loop3A_106, %parallel_loop3A_111 : vector<16xi32>
      %parallel_loop3A_117 = vector.broadcast %select_n3A : i32 to vector<16xi32>
      %parallel_loop3A_118 = arith.cmpi slt, %parallel_loop3A_113, %parallel_loop3A_117 : vector<16xi32>
      %parallel_loop3A_119 = arith.andi %parallel_loop3A_116, %parallel_loop3A_118 : vector<16xi1>
      tpu.vector_store_idx %arg5[%parallel_loop3A_106], %parallel_loop3A_115 masked %parallel_loop3A_119 : memref<8704xi32, #tpu.memory_space<vmem>>[vector<16xi32>], vector<16xi32>, vector<16xi1>
      %parallel_loop3A_120 = arith.constant 1 : i32
      %parallel_loop3A_121 = vector.broadcast %parallel_loop3A_120 : i32 to vector<16xi32>
      %parallel_loop3A_122 = arith.subi %parallel_loop3A_115, %parallel_loop3A_121 : vector<16xi32>
      %parallel_loop3A_123 = arith.constant 0 : i32
      %parallel_loop3A_124 = vector.broadcast %parallel_loop3A_123 : i32 to vector<16xi32>
      %parallel_loop3A_125 = arith.cmpi sge, %parallel_loop3A_111, %parallel_loop3A_124 : vector<16xi32>
      %parallel_loop3A_126 = arith.andi %parallel_loop3A_119, %parallel_loop3A_125 : vector<16xi1>
      tpu.vector_store_idx %arg6[%parallel_loop3A_111], %parallel_loop3A_122 masked %parallel_loop3A_126 : memref<8704xi32, #tpu.memory_space<vmem>>[vector<16xi32>], vector<16xi32>, vector<16xi1>
    } {sc.loop_unroll_factor = 8 : i64, sc.parallel_access}
    %mul3A_24 = arith.constant 8704 : i32
    %mul3A_25 = arith.muli %arg1, %mul3A_24 : i32
    "tpu.region"() ({
      %run_scoped3A = tpu.sem_alloc : memref<!tpu.dma_semaphore, #tpu.memory_space<semaphore_mem>>
      %dma_start3A = tpu.memref_slice %arg10[%mul3A_25] : memref<139264xi32, #tpu.memory_space<vmem_shared>> -> memref<8704xi32, #tpu.memory_space<vmem_shared>>
      %dma_start3A_100 = tpu.memref_slice %arg10[%mul3A_25] : memref<139264xi32, #tpu.memory_space<vmem_shared>> -> memref<8704xi32, #tpu.memory_space<vmem_shared>>
      tpu.enqueue_dma source(%arg5 : memref<8704xi32, #tpu.memory_space<vmem>>) target(%dma_start3A_100 : memref<8704xi32, #tpu.memory_space<vmem_shared>>) target_semaphore(%run_scoped3A : memref<!tpu.dma_semaphore, #tpu.memory_space<semaphore_mem>>)
      %dma_wait3A = tpu.memref_slice %arg10[%mul3A_25] : memref<139264xi32, #tpu.memory_space<vmem_shared>> -> memref<8704xi32, #tpu.memory_space<vmem_shared>>
      %dma_wait3A_101 = tpu.memref_slice %arg10[%mul3A_25] : memref<139264xi32, #tpu.memory_space<vmem_shared>> -> memref<8704xi32, #tpu.memory_space<vmem_shared>>
      tpu.wait_dma2 semaphore(%run_scoped3A : memref<!tpu.dma_semaphore, #tpu.memory_space<semaphore_mem>>) src(%arg5 : memref<8704xi32, #tpu.memory_space<vmem>>) dst(%dma_wait3A_101 : memref<8704xi32, #tpu.memory_space<vmem_shared>>)
      tpu.yield
    }) : () -> ()
    %mul3A_26 = arith.constant 8704 : i32
    %mul3A_27 = arith.muli %arg1, %mul3A_26 : i32
    "tpu.region"() ({
      %run_scoped3A = tpu.sem_alloc : memref<!tpu.dma_semaphore, #tpu.memory_space<semaphore_mem>>
      %dma_start3A = tpu.memref_slice %arg11[%mul3A_27] : memref<139264xi32, #tpu.memory_space<vmem_shared>> -> memref<8704xi32, #tpu.memory_space<vmem_shared>>
      %dma_start3A_100 = tpu.memref_slice %arg11[%mul3A_27] : memref<139264xi32, #tpu.memory_space<vmem_shared>> -> memref<8704xi32, #tpu.memory_space<vmem_shared>>
      tpu.enqueue_dma source(%arg6 : memref<8704xi32, #tpu.memory_space<vmem>>) target(%dma_start3A_100 : memref<8704xi32, #tpu.memory_space<vmem_shared>>) target_semaphore(%run_scoped3A : memref<!tpu.dma_semaphore, #tpu.memory_space<semaphore_mem>>)
      %dma_wait3A = tpu.memref_slice %arg11[%mul3A_27] : memref<139264xi32, #tpu.memory_space<vmem_shared>> -> memref<8704xi32, #tpu.memory_space<vmem_shared>>
      %dma_wait3A_101 = tpu.memref_slice %arg11[%mul3A_27] : memref<139264xi32, #tpu.memory_space<vmem_shared>> -> memref<8704xi32, #tpu.memory_space<vmem_shared>>
      tpu.wait_dma2 semaphore(%run_scoped3A : memref<!tpu.dma_semaphore, #tpu.memory_space<semaphore_mem>>) src(%arg6 : memref<8704xi32, #tpu.memory_space<vmem>>) dst(%dma_wait3A_101 : memref<8704xi32, #tpu.memory_space<vmem_shared>>)
      tpu.yield
    }) : () -> ()
    %barrier3A = arith.constant 0 : index
    tpu.barrier barrier_id(%barrier3A)
    %mul3A_28 = arith.constant 544 : i32
    %mul3A_29 = arith.muli %arg1, %mul3A_28 : i32
    %add3A = arith.constant 0 : i32
    %add3A_30 = arith.addi %add3A, %mul3A_29 : i32
    "tpu.region"() ({
      %run_scoped3A = tpu.sem_alloc : memref<!tpu.dma_semaphore, #tpu.memory_space<semaphore_mem>>
      %dma_start3A = arith.constant 0 : i32
      %dma_start3A_100 = tpu.memref_slice %arg7[%dma_start3A] : memref<8704xi32, #tpu.memory_space<vmem>> -> memref<544xi32, #tpu.memory_space<vmem>>
      %dma_start3A_101 = tpu.memref_slice %arg10[%add3A_30] : memref<139264xi32, #tpu.memory_space<vmem_shared>> -> memref<544xi32, #tpu.memory_space<vmem_shared>>
      %dma_start3A_102 = arith.constant 0 : i32
      %dma_start3A_103 = tpu.memref_slice %arg7[%dma_start3A_102] : memref<8704xi32, #tpu.memory_space<vmem>> -> memref<544xi32, #tpu.memory_space<vmem>>
      %dma_start3A_104 = tpu.memref_slice %arg10[%add3A_30] : memref<139264xi32, #tpu.memory_space<vmem_shared>> -> memref<544xi32, #tpu.memory_space<vmem_shared>>
      tpu.enqueue_dma source(%dma_start3A_104 : memref<544xi32, #tpu.memory_space<vmem_shared>>) target(%dma_start3A_103 : memref<544xi32, #tpu.memory_space<vmem>>) target_semaphore(%run_scoped3A : memref<!tpu.dma_semaphore, #tpu.memory_space<semaphore_mem>>)
      %dma_wait3A = arith.constant 0 : i32
      %dma_wait3A_105 = tpu.memref_slice %arg7[%dma_wait3A] : memref<8704xi32, #tpu.memory_space<vmem>> -> memref<544xi32, #tpu.memory_space<vmem>>
      %dma_wait3A_106 = tpu.memref_slice %arg10[%add3A_30] : memref<139264xi32, #tpu.memory_space<vmem_shared>> -> memref<544xi32, #tpu.memory_space<vmem_shared>>
      %dma_wait3A_107 = arith.constant 0 : i32
      %dma_wait3A_108 = tpu.memref_slice %arg7[%dma_wait3A_107] : memref<8704xi32, #tpu.memory_space<vmem>> -> memref<544xi32, #tpu.memory_space<vmem>>
      %dma_wait3A_109 = tpu.memref_slice %arg10[%add3A_30] : memref<139264xi32, #tpu.memory_space<vmem_shared>> -> memref<544xi32, #tpu.memory_space<vmem_shared>>
      tpu.wait_dma2 semaphore(%run_scoped3A : memref<!tpu.dma_semaphore, #tpu.memory_space<semaphore_mem>>) src(%dma_wait3A_109 : memref<544xi32, #tpu.memory_space<vmem_shared>>) dst(%dma_wait3A_108 : memref<544xi32, #tpu.memory_space<vmem>>)
      tpu.yield
    }) : () -> ()
    %add3A_31 = arith.constant 0 : i32
    %add3A_32 = arith.addi %add3A_31, %mul3A_29 : i32
    "tpu.region"() ({
      %run_scoped3A = tpu.sem_alloc : memref<!tpu.dma_semaphore, #tpu.memory_space<semaphore_mem>>
      %dma_start3A = arith.constant 0 : i32
      %dma_start3A_100 = tpu.memref_slice %arg8[%dma_start3A] : memref<8704xi32, #tpu.memory_space<vmem>> -> memref<544xi32, #tpu.memory_space<vmem>>
      %dma_start3A_101 = tpu.memref_slice %arg11[%add3A_32] : memref<139264xi32, #tpu.memory_space<vmem_shared>> -> memref<544xi32, #tpu.memory_space<vmem_shared>>
      %dma_start3A_102 = arith.constant 0 : i32
      %dma_start3A_103 = tpu.memref_slice %arg8[%dma_start3A_102] : memref<8704xi32, #tpu.memory_space<vmem>> -> memref<544xi32, #tpu.memory_space<vmem>>
      %dma_start3A_104 = tpu.memref_slice %arg11[%add3A_32] : memref<139264xi32, #tpu.memory_space<vmem_shared>> -> memref<544xi32, #tpu.memory_space<vmem_shared>>
      tpu.enqueue_dma source(%dma_start3A_104 : memref<544xi32, #tpu.memory_space<vmem_shared>>) target(%dma_start3A_103 : memref<544xi32, #tpu.memory_space<vmem>>) target_semaphore(%run_scoped3A : memref<!tpu.dma_semaphore, #tpu.memory_space<semaphore_mem>>)
      %dma_wait3A = arith.constant 0 : i32
      %dma_wait3A_105 = tpu.memref_slice %arg8[%dma_wait3A] : memref<8704xi32, #tpu.memory_space<vmem>> -> memref<544xi32, #tpu.memory_space<vmem>>
      %dma_wait3A_106 = tpu.memref_slice %arg11[%add3A_32] : memref<139264xi32, #tpu.memory_space<vmem_shared>> -> memref<544xi32, #tpu.memory_space<vmem_shared>>
      %dma_wait3A_107 = arith.constant 0 : i32
      %dma_wait3A_108 = tpu.memref_slice %arg8[%dma_wait3A_107] : memref<8704xi32, #tpu.memory_space<vmem>> -> memref<544xi32, #tpu.memory_space<vmem>>
      %dma_wait3A_109 = tpu.memref_slice %arg11[%add3A_32] : memref<139264xi32, #tpu.memory_space<vmem_shared>> -> memref<544xi32, #tpu.memory_space<vmem_shared>>
      tpu.wait_dma2 semaphore(%run_scoped3A : memref<!tpu.dma_semaphore, #tpu.memory_space<semaphore_mem>>) src(%dma_wait3A_109 : memref<544xi32, #tpu.memory_space<vmem_shared>>) dst(%dma_wait3A_108 : memref<544xi32, #tpu.memory_space<vmem>>)
      tpu.yield
    }) : () -> ()
    %add3A_33 = arith.constant 8704 : i32
    %add3A_34 = arith.addi %add3A_33, %mul3A_29 : i32
    "tpu.region"() ({
      %run_scoped3A = tpu.sem_alloc : memref<!tpu.dma_semaphore, #tpu.memory_space<semaphore_mem>>
      %dma_start3A = arith.constant 544 : i32
      %dma_start3A_100 = tpu.memref_slice %arg7[%dma_start3A] : memref<8704xi32, #tpu.memory_space<vmem>> -> memref<544xi32, #tpu.memory_space<vmem>>
      %dma_start3A_101 = tpu.memref_slice %arg10[%add3A_34] : memref<139264xi32, #tpu.memory_space<vmem_shared>> -> memref<544xi32, #tpu.memory_space<vmem_shared>>
      %dma_start3A_102 = arith.constant 544 : i32
      %dma_start3A_103 = tpu.memref_slice %arg7[%dma_start3A_102] : memref<8704xi32, #tpu.memory_space<vmem>> -> memref<544xi32, #tpu.memory_space<vmem>>
      %dma_start3A_104 = tpu.memref_slice %arg10[%add3A_34] : memref<139264xi32, #tpu.memory_space<vmem_shared>> -> memref<544xi32, #tpu.memory_space<vmem_shared>>
      tpu.enqueue_dma source(%dma_start3A_104 : memref<544xi32, #tpu.memory_space<vmem_shared>>) target(%dma_start3A_103 : memref<544xi32, #tpu.memory_space<vmem>>) target_semaphore(%run_scoped3A : memref<!tpu.dma_semaphore, #tpu.memory_space<semaphore_mem>>)
      %dma_wait3A = arith.constant 544 : i32
      %dma_wait3A_105 = tpu.memref_slice %arg7[%dma_wait3A] : memref<8704xi32, #tpu.memory_space<vmem>> -> memref<544xi32, #tpu.memory_space<vmem>>
      %dma_wait3A_106 = tpu.memref_slice %arg10[%add3A_34] : memref<139264xi32, #tpu.memory_space<vmem_shared>> -> memref<544xi32, #tpu.memory_space<vmem_shared>>
      %dma_wait3A_107 = arith.constant 544 : i32
      %dma_wait3A_108 = tpu.memref_slice %arg7[%dma_wait3A_107] : memref<8704xi32, #tpu.memory_space<vmem>> -> memref<544xi32, #tpu.memory_space<vmem>>
      %dma_wait3A_109 = tpu.memref_slice %arg10[%add3A_34] : memref<139264xi32, #tpu.memory_space<vmem_shared>> -> memref<544xi32, #tpu.memory_space<vmem_shared>>
      tpu.wait_dma2 semaphore(%run_scoped3A : memref<!tpu.dma_semaphore, #tpu.memory_space<semaphore_mem>>) src(%dma_wait3A_109 : memref<544xi32, #tpu.memory_space<vmem_shared>>) dst(%dma_wait3A_108 : memref<544xi32, #tpu.memory_space<vmem>>)
      tpu.yield
    }) : () -> ()
    %add3A_35 = arith.constant 8704 : i32
    %add3A_36 = arith.addi %add3A_35, %mul3A_29 : i32
    "tpu.region"() ({
      %run_scoped3A = tpu.sem_alloc : memref<!tpu.dma_semaphore, #tpu.memory_space<semaphore_mem>>
      %dma_start3A = arith.constant 544 : i32
      %dma_start3A_100 = tpu.memref_slice %arg8[%dma_start3A] : memref<8704xi32, #tpu.memory_space<vmem>> -> memref<544xi32, #tpu.memory_space<vmem>>
      %dma_start3A_101 = tpu.memref_slice %arg11[%add3A_36] : memref<139264xi32, #tpu.memory_space<vmem_shared>> -> memref<544xi32, #tpu.memory_space<vmem_shared>>
      %dma_start3A_102 = arith.constant 544 : i32
      %dma_start3A_103 = tpu.memref_slice %arg8[%dma_start3A_102] : memref<8704xi32, #tpu.memory_space<vmem>> -> memref<544xi32, #tpu.memory_space<vmem>>
      %dma_start3A_104 = tpu.memref_slice %arg11[%add3A_36] : memref<139264xi32, #tpu.memory_space<vmem_shared>> -> memref<544xi32, #tpu.memory_space<vmem_shared>>
      tpu.enqueue_dma source(%dma_start3A_104 : memref<544xi32, #tpu.memory_space<vmem_shared>>) target(%dma_start3A_103 : memref<544xi32, #tpu.memory_space<vmem>>) target_semaphore(%run_scoped3A : memref<!tpu.dma_semaphore, #tpu.memory_space<semaphore_mem>>)
      %dma_wait3A = arith.constant 544 : i32
      %dma_wait3A_105 = tpu.memref_slice %arg8[%dma_wait3A] : memref<8704xi32, #tpu.memory_space<vmem>> -> memref<544xi32, #tpu.memory_space<vmem>>
      %dma_wait3A_106 = tpu.memref_slice %arg11[%add3A_36] : memref<139264xi32, #tpu.memory_space<vmem_shared>> -> memref<544xi32, #tpu.memory_space<vmem_shared>>
      %dma_wait3A_107 = arith.constant 544 : i32
      %dma_wait3A_108 = tpu.memref_slice %arg8[%dma_wait3A_107] : memref<8704xi32, #tpu.memory_space<vmem>> -> memref<544xi32, #tpu.memory_space<vmem>>
      %dma_wait3A_109 = tpu.memref_slice %arg11[%add3A_36] : memref<139264xi32, #tpu.memory_space<vmem_shared>> -> memref<544xi32, #tpu.memory_space<vmem_shared>>
      tpu.wait_dma2 semaphore(%run_scoped3A : memref<!tpu.dma_semaphore, #tpu.memory_space<semaphore_mem>>) src(%dma_wait3A_109 : memref<544xi32, #tpu.memory_space<vmem_shared>>) dst(%dma_wait3A_108 : memref<544xi32, #tpu.memory_space<vmem>>)
      tpu.yield
    }) : () -> ()
    %add3A_37 = arith.constant 17408 : i32
    %add3A_38 = arith.addi %add3A_37, %mul3A_29 : i32
    "tpu.region"() ({
      %run_scoped3A = tpu.sem_alloc : memref<!tpu.dma_semaphore, #tpu.memory_space<semaphore_mem>>
      %dma_start3A = arith.constant 1088 : i32
      %dma_start3A_100 = tpu.memref_slice %arg7[%dma_start3A] : memref<8704xi32, #tpu.memory_space<vmem>> -> memref<544xi32, #tpu.memory_space<vmem>>
      %dma_start3A_101 = tpu.memref_slice %arg10[%add3A_38] : memref<139264xi32, #tpu.memory_space<vmem_shared>> -> memref<544xi32, #tpu.memory_space<vmem_shared>>
      %dma_start3A_102 = arith.constant 1088 : i32
      %dma_start3A_103 = tpu.memref_slice %arg7[%dma_start3A_102] : memref<8704xi32, #tpu.memory_space<vmem>> -> memref<544xi32, #tpu.memory_space<vmem>>
      %dma_start3A_104 = tpu.memref_slice %arg10[%add3A_38] : memref<139264xi32, #tpu.memory_space<vmem_shared>> -> memref<544xi32, #tpu.memory_space<vmem_shared>>
      tpu.enqueue_dma source(%dma_start3A_104 : memref<544xi32, #tpu.memory_space<vmem_shared>>) target(%dma_start3A_103 : memref<544xi32, #tpu.memory_space<vmem>>) target_semaphore(%run_scoped3A : memref<!tpu.dma_semaphore, #tpu.memory_space<semaphore_mem>>)
      %dma_wait3A = arith.constant 1088 : i32
      %dma_wait3A_105 = tpu.memref_slice %arg7[%dma_wait3A] : memref<8704xi32, #tpu.memory_space<vmem>> -> memref<544xi32, #tpu.memory_space<vmem>>
      %dma_wait3A_106 = tpu.memref_slice %arg10[%add3A_38] : memref<139264xi32, #tpu.memory_space<vmem_shared>> -> memref<544xi32, #tpu.memory_space<vmem_shared>>
      %dma_wait3A_107 = arith.constant 1088 : i32
      %dma_wait3A_108 = tpu.memref_slice %arg7[%dma_wait3A_107] : memref<8704xi32, #tpu.memory_space<vmem>> -> memref<544xi32, #tpu.memory_space<vmem>>
      %dma_wait3A_109 = tpu.memref_slice %arg10[%add3A_38] : memref<139264xi32, #tpu.memory_space<vmem_shared>> -> memref<544xi32, #tpu.memory_space<vmem_shared>>
      tpu.wait_dma2 semaphore(%run_scoped3A : memref<!tpu.dma_semaphore, #tpu.memory_space<semaphore_mem>>) src(%dma_wait3A_109 : memref<544xi32, #tpu.memory_space<vmem_shared>>) dst(%dma_wait3A_108 : memref<544xi32, #tpu.memory_space<vmem>>)
      tpu.yield
    }) : () -> ()
    %add3A_39 = arith.constant 17408 : i32
    %add3A_40 = arith.addi %add3A_39, %mul3A_29 : i32
    "tpu.region"() ({
      %run_scoped3A = tpu.sem_alloc : memref<!tpu.dma_semaphore, #tpu.memory_space<semaphore_mem>>
      %dma_start3A = arith.constant 1088 : i32
      %dma_start3A_100 = tpu.memref_slice %arg8[%dma_start3A] : memref<8704xi32, #tpu.memory_space<vmem>> -> memref<544xi32, #tpu.memory_space<vmem>>
      %dma_start3A_101 = tpu.memref_slice %arg11[%add3A_40] : memref<139264xi32, #tpu.memory_space<vmem_shared>> -> memref<544xi32, #tpu.memory_space<vmem_shared>>
      %dma_start3A_102 = arith.constant 1088 : i32
      %dma_start3A_103 = tpu.memref_slice %arg8[%dma_start3A_102] : memref<8704xi32, #tpu.memory_space<vmem>> -> memref<544xi32, #tpu.memory_space<vmem>>
      %dma_start3A_104 = tpu.memref_slice %arg11[%add3A_40] : memref<139264xi32, #tpu.memory_space<vmem_shared>> -> memref<544xi32, #tpu.memory_space<vmem_shared>>
      tpu.enqueue_dma source(%dma_start3A_104 : memref<544xi32, #tpu.memory_space<vmem_shared>>) target(%dma_start3A_103 : memref<544xi32, #tpu.memory_space<vmem>>) target_semaphore(%run_scoped3A : memref<!tpu.dma_semaphore, #tpu.memory_space<semaphore_mem>>)
      %dma_wait3A = arith.constant 1088 : i32
      %dma_wait3A_105 = tpu.memref_slice %arg8[%dma_wait3A] : memref<8704xi32, #tpu.memory_space<vmem>> -> memref<544xi32, #tpu.memory_space<vmem>>
      %dma_wait3A_106 = tpu.memref_slice %arg11[%add3A_40] : memref<139264xi32, #tpu.memory_space<vmem_shared>> -> memref<544xi32, #tpu.memory_space<vmem_shared>>
      %dma_wait3A_107 = arith.constant 1088 : i32
      %dma_wait3A_108 = tpu.memref_slice %arg8[%dma_wait3A_107] : memref<8704xi32, #tpu.memory_space<vmem>> -> memref<544xi32, #tpu.memory_space<vmem>>
      %dma_wait3A_109 = tpu.memref_slice %arg11[%add3A_40] : memref<139264xi32, #tpu.memory_space<vmem_shared>> -> memref<544xi32, #tpu.memory_space<vmem_shared>>
      tpu.wait_dma2 semaphore(%run_scoped3A : memref<!tpu.dma_semaphore, #tpu.memory_space<semaphore_mem>>) src(%dma_wait3A_109 : memref<544xi32, #tpu.memory_space<vmem_shared>>) dst(%dma_wait3A_108 : memref<544xi32, #tpu.memory_space<vmem>>)
      tpu.yield
    }) : () -> ()
    %add3A_41 = arith.constant 26112 : i32
    %add3A_42 = arith.addi %add3A_41, %mul3A_29 : i32
    "tpu.region"() ({
      %run_scoped3A = tpu.sem_alloc : memref<!tpu.dma_semaphore, #tpu.memory_space<semaphore_mem>>
      %dma_start3A = arith.constant 1632 : i32
      %dma_start3A_100 = tpu.memref_slice %arg7[%dma_start3A] : memref<8704xi32, #tpu.memory_space<vmem>> -> memref<544xi32, #tpu.memory_space<vmem>>
      %dma_start3A_101 = tpu.memref_slice %arg10[%add3A_42] : memref<139264xi32, #tpu.memory_space<vmem_shared>> -> memref<544xi32, #tpu.memory_space<vmem_shared>>
      %dma_start3A_102 = arith.constant 1632 : i32
      %dma_start3A_103 = tpu.memref_slice %arg7[%dma_start3A_102] : memref<8704xi32, #tpu.memory_space<vmem>> -> memref<544xi32, #tpu.memory_space<vmem>>
      %dma_start3A_104 = tpu.memref_slice %arg10[%add3A_42] : memref<139264xi32, #tpu.memory_space<vmem_shared>> -> memref<544xi32, #tpu.memory_space<vmem_shared>>
      tpu.enqueue_dma source(%dma_start3A_104 : memref<544xi32, #tpu.memory_space<vmem_shared>>) target(%dma_start3A_103 : memref<544xi32, #tpu.memory_space<vmem>>) target_semaphore(%run_scoped3A : memref<!tpu.dma_semaphore, #tpu.memory_space<semaphore_mem>>)
      %dma_wait3A = arith.constant 1632 : i32
      %dma_wait3A_105 = tpu.memref_slice %arg7[%dma_wait3A] : memref<8704xi32, #tpu.memory_space<vmem>> -> memref<544xi32, #tpu.memory_space<vmem>>
      %dma_wait3A_106 = tpu.memref_slice %arg10[%add3A_42] : memref<139264xi32, #tpu.memory_space<vmem_shared>> -> memref<544xi32, #tpu.memory_space<vmem_shared>>
      %dma_wait3A_107 = arith.constant 1632 : i32
      %dma_wait3A_108 = tpu.memref_slice %arg7[%dma_wait3A_107] : memref<8704xi32, #tpu.memory_space<vmem>> -> memref<544xi32, #tpu.memory_space<vmem>>
      %dma_wait3A_109 = tpu.memref_slice %arg10[%add3A_42] : memref<139264xi32, #tpu.memory_space<vmem_shared>> -> memref<544xi32, #tpu.memory_space<vmem_shared>>
      tpu.wait_dma2 semaphore(%run_scoped3A : memref<!tpu.dma_semaphore, #tpu.memory_space<semaphore_mem>>) src(%dma_wait3A_109 : memref<544xi32, #tpu.memory_space<vmem_shared>>) dst(%dma_wait3A_108 : memref<544xi32, #tpu.memory_space<vmem>>)
      tpu.yield
    }) : () -> ()
    %add3A_43 = arith.constant 26112 : i32
    %add3A_44 = arith.addi %add3A_43, %mul3A_29 : i32
    "tpu.region"() ({
      %run_scoped3A = tpu.sem_alloc : memref<!tpu.dma_semaphore, #tpu.memory_space<semaphore_mem>>
      %dma_start3A = arith.constant 1632 : i32
      %dma_start3A_100 = tpu.memref_slice %arg8[%dma_start3A] : memref<8704xi32, #tpu.memory_space<vmem>> -> memref<544xi32, #tpu.memory_space<vmem>>
      %dma_start3A_101 = tpu.memref_slice %arg11[%add3A_44] : memref<139264xi32, #tpu.memory_space<vmem_shared>> -> memref<544xi32, #tpu.memory_space<vmem_shared>>
      %dma_start3A_102 = arith.constant 1632 : i32
      %dma_start3A_103 = tpu.memref_slice %arg8[%dma_start3A_102] : memref<8704xi32, #tpu.memory_space<vmem>> -> memref<544xi32, #tpu.memory_space<vmem>>
      %dma_start3A_104 = tpu.memref_slice %arg11[%add3A_44] : memref<139264xi32, #tpu.memory_space<vmem_shared>> -> memref<544xi32, #tpu.memory_space<vmem_shared>>
      tpu.enqueue_dma source(%dma_start3A_104 : memref<544xi32, #tpu.memory_space<vmem_shared>>) target(%dma_start3A_103 : memref<544xi32, #tpu.memory_space<vmem>>) target_semaphore(%run_scoped3A : memref<!tpu.dma_semaphore, #tpu.memory_space<semaphore_mem>>)
      %dma_wait3A = arith.constant 1632 : i32
      %dma_wait3A_105 = tpu.memref_slice %arg8[%dma_wait3A] : memref<8704xi32, #tpu.memory_space<vmem>> -> memref<544xi32, #tpu.memory_space<vmem>>
      %dma_wait3A_106 = tpu.memref_slice %arg11[%add3A_44] : memref<139264xi32, #tpu.memory_space<vmem_shared>> -> memref<544xi32, #tpu.memory_space<vmem_shared>>
      %dma_wait3A_107 = arith.constant 1632 : i32
      %dma_wait3A_108 = tpu.memref_slice %arg8[%dma_wait3A_107] : memref<8704xi32, #tpu.memory_space<vmem>> -> memref<544xi32, #tpu.memory_space<vmem>>
      %dma_wait3A_109 = tpu.memref_slice %arg11[%add3A_44] : memref<139264xi32, #tpu.memory_space<vmem_shared>> -> memref<544xi32, #tpu.memory_space<vmem_shared>>
      tpu.wait_dma2 semaphore(%run_scoped3A : memref<!tpu.dma_semaphore, #tpu.memory_space<semaphore_mem>>) src(%dma_wait3A_109 : memref<544xi32, #tpu.memory_space<vmem_shared>>) dst(%dma_wait3A_108 : memref<544xi32, #tpu.memory_space<vmem>>)
      tpu.yield
    }) : () -> ()
    %add3A_45 = arith.constant 34816 : i32
    %add3A_46 = arith.addi %add3A_45, %mul3A_29 : i32
    "tpu.region"() ({
      %run_scoped3A = tpu.sem_alloc : memref<!tpu.dma_semaphore, #tpu.memory_space<semaphore_mem>>
      %dma_start3A = arith.constant 2176 : i32
      %dma_start3A_100 = tpu.memref_slice %arg7[%dma_start3A] : memref<8704xi32, #tpu.memory_space<vmem>> -> memref<544xi32, #tpu.memory_space<vmem>>
      %dma_start3A_101 = tpu.memref_slice %arg10[%add3A_46] : memref<139264xi32, #tpu.memory_space<vmem_shared>> -> memref<544xi32, #tpu.memory_space<vmem_shared>>
      %dma_start3A_102 = arith.constant 2176 : i32
      %dma_start3A_103 = tpu.memref_slice %arg7[%dma_start3A_102] : memref<8704xi32, #tpu.memory_space<vmem>> -> memref<544xi32, #tpu.memory_space<vmem>>
      %dma_start3A_104 = tpu.memref_slice %arg10[%add3A_46] : memref<139264xi32, #tpu.memory_space<vmem_shared>> -> memref<544xi32, #tpu.memory_space<vmem_shared>>
      tpu.enqueue_dma source(%dma_start3A_104 : memref<544xi32, #tpu.memory_space<vmem_shared>>) target(%dma_start3A_103 : memref<544xi32, #tpu.memory_space<vmem>>) target_semaphore(%run_scoped3A : memref<!tpu.dma_semaphore, #tpu.memory_space<semaphore_mem>>)
      %dma_wait3A = arith.constant 2176 : i32
      %dma_wait3A_105 = tpu.memref_slice %arg7[%dma_wait3A] : memref<8704xi32, #tpu.memory_space<vmem>> -> memref<544xi32, #tpu.memory_space<vmem>>
      %dma_wait3A_106 = tpu.memref_slice %arg10[%add3A_46] : memref<139264xi32, #tpu.memory_space<vmem_shared>> -> memref<544xi32, #tpu.memory_space<vmem_shared>>
      %dma_wait3A_107 = arith.constant 2176 : i32
      %dma_wait3A_108 = tpu.memref_slice %arg7[%dma_wait3A_107] : memref<8704xi32, #tpu.memory_space<vmem>> -> memref<544xi32, #tpu.memory_space<vmem>>
      %dma_wait3A_109 = tpu.memref_slice %arg10[%add3A_46] : memref<139264xi32, #tpu.memory_space<vmem_shared>> -> memref<544xi32, #tpu.memory_space<vmem_shared>>
      tpu.wait_dma2 semaphore(%run_scoped3A : memref<!tpu.dma_semaphore, #tpu.memory_space<semaphore_mem>>) src(%dma_wait3A_109 : memref<544xi32, #tpu.memory_space<vmem_shared>>) dst(%dma_wait3A_108 : memref<544xi32, #tpu.memory_space<vmem>>)
      tpu.yield
    }) : () -> ()
    %add3A_47 = arith.constant 34816 : i32
    %add3A_48 = arith.addi %add3A_47, %mul3A_29 : i32
    "tpu.region"() ({
      %run_scoped3A = tpu.sem_alloc : memref<!tpu.dma_semaphore, #tpu.memory_space<semaphore_mem>>
      %dma_start3A = arith.constant 2176 : i32
      %dma_start3A_100 = tpu.memref_slice %arg8[%dma_start3A] : memref<8704xi32, #tpu.memory_space<vmem>> -> memref<544xi32, #tpu.memory_space<vmem>>
      %dma_start3A_101 = tpu.memref_slice %arg11[%add3A_48] : memref<139264xi32, #tpu.memory_space<vmem_shared>> -> memref<544xi32, #tpu.memory_space<vmem_shared>>
      %dma_start3A_102 = arith.constant 2176 : i32
      %dma_start3A_103 = tpu.memref_slice %arg8[%dma_start3A_102] : memref<8704xi32, #tpu.memory_space<vmem>> -> memref<544xi32, #tpu.memory_space<vmem>>
      %dma_start3A_104 = tpu.memref_slice %arg11[%add3A_48] : memref<139264xi32, #tpu.memory_space<vmem_shared>> -> memref<544xi32, #tpu.memory_space<vmem_shared>>
      tpu.enqueue_dma source(%dma_start3A_104 : memref<544xi32, #tpu.memory_space<vmem_shared>>) target(%dma_start3A_103 : memref<544xi32, #tpu.memory_space<vmem>>) target_semaphore(%run_scoped3A : memref<!tpu.dma_semaphore, #tpu.memory_space<semaphore_mem>>)
      %dma_wait3A = arith.constant 2176 : i32
      %dma_wait3A_105 = tpu.memref_slice %arg8[%dma_wait3A] : memref<8704xi32, #tpu.memory_space<vmem>> -> memref<544xi32, #tpu.memory_space<vmem>>
      %dma_wait3A_106 = tpu.memref_slice %arg11[%add3A_48] : memref<139264xi32, #tpu.memory_space<vmem_shared>> -> memref<544xi32, #tpu.memory_space<vmem_shared>>
      %dma_wait3A_107 = arith.constant 2176 : i32
      %dma_wait3A_108 = tpu.memref_slice %arg8[%dma_wait3A_107] : memref<8704xi32, #tpu.memory_space<vmem>> -> memref<544xi32, #tpu.memory_space<vmem>>
      %dma_wait3A_109 = tpu.memref_slice %arg11[%add3A_48] : memref<139264xi32, #tpu.memory_space<vmem_shared>> -> memref<544xi32, #tpu.memory_space<vmem_shared>>
      tpu.wait_dma2 semaphore(%run_scoped3A : memref<!tpu.dma_semaphore, #tpu.memory_space<semaphore_mem>>) src(%dma_wait3A_109 : memref<544xi32, #tpu.memory_space<vmem_shared>>) dst(%dma_wait3A_108 : memref<544xi32, #tpu.memory_space<vmem>>)
      tpu.yield
    }) : () -> ()
    %add3A_49 = arith.constant 43520 : i32
    %add3A_50 = arith.addi %add3A_49, %mul3A_29 : i32
    "tpu.region"() ({
      %run_scoped3A = tpu.sem_alloc : memref<!tpu.dma_semaphore, #tpu.memory_space<semaphore_mem>>
      %dma_start3A = arith.constant 2720 : i32
      %dma_start3A_100 = tpu.memref_slice %arg7[%dma_start3A] : memref<8704xi32, #tpu.memory_space<vmem>> -> memref<544xi32, #tpu.memory_space<vmem>>
      %dma_start3A_101 = tpu.memref_slice %arg10[%add3A_50] : memref<139264xi32, #tpu.memory_space<vmem_shared>> -> memref<544xi32, #tpu.memory_space<vmem_shared>>
      %dma_start3A_102 = arith.constant 2720 : i32
      %dma_start3A_103 = tpu.memref_slice %arg7[%dma_start3A_102] : memref<8704xi32, #tpu.memory_space<vmem>> -> memref<544xi32, #tpu.memory_space<vmem>>
      %dma_start3A_104 = tpu.memref_slice %arg10[%add3A_50] : memref<139264xi32, #tpu.memory_space<vmem_shared>> -> memref<544xi32, #tpu.memory_space<vmem_shared>>
      tpu.enqueue_dma source(%dma_start3A_104 : memref<544xi32, #tpu.memory_space<vmem_shared>>) target(%dma_start3A_103 : memref<544xi32, #tpu.memory_space<vmem>>) target_semaphore(%run_scoped3A : memref<!tpu.dma_semaphore, #tpu.memory_space<semaphore_mem>>)
      %dma_wait3A = arith.constant 2720 : i32
      %dma_wait3A_105 = tpu.memref_slice %arg7[%dma_wait3A] : memref<8704xi32, #tpu.memory_space<vmem>> -> memref<544xi32, #tpu.memory_space<vmem>>
      %dma_wait3A_106 = tpu.memref_slice %arg10[%add3A_50] : memref<139264xi32, #tpu.memory_space<vmem_shared>> -> memref<544xi32, #tpu.memory_space<vmem_shared>>
      %dma_wait3A_107 = arith.constant 2720 : i32
      %dma_wait3A_108 = tpu.memref_slice %arg7[%dma_wait3A_107] : memref<8704xi32, #tpu.memory_space<vmem>> -> memref<544xi32, #tpu.memory_space<vmem>>
      %dma_wait3A_109 = tpu.memref_slice %arg10[%add3A_50] : memref<139264xi32, #tpu.memory_space<vmem_shared>> -> memref<544xi32, #tpu.memory_space<vmem_shared>>
      tpu.wait_dma2 semaphore(%run_scoped3A : memref<!tpu.dma_semaphore, #tpu.memory_space<semaphore_mem>>) src(%dma_wait3A_109 : memref<544xi32, #tpu.memory_space<vmem_shared>>) dst(%dma_wait3A_108 : memref<544xi32, #tpu.memory_space<vmem>>)
      tpu.yield
    }) : () -> ()
    %add3A_51 = arith.constant 43520 : i32
    %add3A_52 = arith.addi %add3A_51, %mul3A_29 : i32
    "tpu.region"() ({
      %run_scoped3A = tpu.sem_alloc : memref<!tpu.dma_semaphore, #tpu.memory_space<semaphore_mem>>
      %dma_start3A = arith.constant 2720 : i32
      %dma_start3A_100 = tpu.memref_slice %arg8[%dma_start3A] : memref<8704xi32, #tpu.memory_space<vmem>> -> memref<544xi32, #tpu.memory_space<vmem>>
      %dma_start3A_101 = tpu.memref_slice %arg11[%add3A_52] : memref<139264xi32, #tpu.memory_space<vmem_shared>> -> memref<544xi32, #tpu.memory_space<vmem_shared>>
      %dma_start3A_102 = arith.constant 2720 : i32
      %dma_start3A_103 = tpu.memref_slice %arg8[%dma_start3A_102] : memref<8704xi32, #tpu.memory_space<vmem>> -> memref<544xi32, #tpu.memory_space<vmem>>
      %dma_start3A_104 = tpu.memref_slice %arg11[%add3A_52] : memref<139264xi32, #tpu.memory_space<vmem_shared>> -> memref<544xi32, #tpu.memory_space<vmem_shared>>
      tpu.enqueue_dma source(%dma_start3A_104 : memref<544xi32, #tpu.memory_space<vmem_shared>>) target(%dma_start3A_103 : memref<544xi32, #tpu.memory_space<vmem>>) target_semaphore(%run_scoped3A : memref<!tpu.dma_semaphore, #tpu.memory_space<semaphore_mem>>)
      %dma_wait3A = arith.constant 2720 : i32
      %dma_wait3A_105 = tpu.memref_slice %arg8[%dma_wait3A] : memref<8704xi32, #tpu.memory_space<vmem>> -> memref<544xi32, #tpu.memory_space<vmem>>
      %dma_wait3A_106 = tpu.memref_slice %arg11[%add3A_52] : memref<139264xi32, #tpu.memory_space<vmem_shared>> -> memref<544xi32, #tpu.memory_space<vmem_shared>>
      %dma_wait3A_107 = arith.constant 2720 : i32
      %dma_wait3A_108 = tpu.memref_slice %arg8[%dma_wait3A_107] : memref<8704xi32, #tpu.memory_space<vmem>> -> memref<544xi32, #tpu.memory_space<vmem>>
      %dma_wait3A_109 = tpu.memref_slice %arg11[%add3A_52] : memref<139264xi32, #tpu.memory_space<vmem_shared>> -> memref<544xi32, #tpu.memory_space<vmem_shared>>
      tpu.wait_dma2 semaphore(%run_scoped3A : memref<!tpu.dma_semaphore, #tpu.memory_space<semaphore_mem>>) src(%dma_wait3A_109 : memref<544xi32, #tpu.memory_space<vmem_shared>>) dst(%dma_wait3A_108 : memref<544xi32, #tpu.memory_space<vmem>>)
      tpu.yield
    }) : () -> ()
    %add3A_53 = arith.constant 52224 : i32
    %add3A_54 = arith.addi %add3A_53, %mul3A_29 : i32
    "tpu.region"() ({
      %run_scoped3A = tpu.sem_alloc : memref<!tpu.dma_semaphore, #tpu.memory_space<semaphore_mem>>
      %dma_start3A = arith.constant 3264 : i32
      %dma_start3A_100 = tpu.memref_slice %arg7[%dma_start3A] : memref<8704xi32, #tpu.memory_space<vmem>> -> memref<544xi32, #tpu.memory_space<vmem>>
      %dma_start3A_101 = tpu.memref_slice %arg10[%add3A_54] : memref<139264xi32, #tpu.memory_space<vmem_shared>> -> memref<544xi32, #tpu.memory_space<vmem_shared>>
      %dma_start3A_102 = arith.constant 3264 : i32
      %dma_start3A_103 = tpu.memref_slice %arg7[%dma_start3A_102] : memref<8704xi32, #tpu.memory_space<vmem>> -> memref<544xi32, #tpu.memory_space<vmem>>
      %dma_start3A_104 = tpu.memref_slice %arg10[%add3A_54] : memref<139264xi32, #tpu.memory_space<vmem_shared>> -> memref<544xi32, #tpu.memory_space<vmem_shared>>
      tpu.enqueue_dma source(%dma_start3A_104 : memref<544xi32, #tpu.memory_space<vmem_shared>>) target(%dma_start3A_103 : memref<544xi32, #tpu.memory_space<vmem>>) target_semaphore(%run_scoped3A : memref<!tpu.dma_semaphore, #tpu.memory_space<semaphore_mem>>)
      %dma_wait3A = arith.constant 3264 : i32
      %dma_wait3A_105 = tpu.memref_slice %arg7[%dma_wait3A] : memref<8704xi32, #tpu.memory_space<vmem>> -> memref<544xi32, #tpu.memory_space<vmem>>
      %dma_wait3A_106 = tpu.memref_slice %arg10[%add3A_54] : memref<139264xi32, #tpu.memory_space<vmem_shared>> -> memref<544xi32, #tpu.memory_space<vmem_shared>>
      %dma_wait3A_107 = arith.constant 3264 : i32
      %dma_wait3A_108 = tpu.memref_slice %arg7[%dma_wait3A_107] : memref<8704xi32, #tpu.memory_space<vmem>> -> memref<544xi32, #tpu.memory_space<vmem>>
      %dma_wait3A_109 = tpu.memref_slice %arg10[%add3A_54] : memref<139264xi32, #tpu.memory_space<vmem_shared>> -> memref<544xi32, #tpu.memory_space<vmem_shared>>
      tpu.wait_dma2 semaphore(%run_scoped3A : memref<!tpu.dma_semaphore, #tpu.memory_space<semaphore_mem>>) src(%dma_wait3A_109 : memref<544xi32, #tpu.memory_space<vmem_shared>>) dst(%dma_wait3A_108 : memref<544xi32, #tpu.memory_space<vmem>>)
      tpu.yield
    }) : () -> ()
    %add3A_55 = arith.constant 52224 : i32
    %add3A_56 = arith.addi %add3A_55, %mul3A_29 : i32
    "tpu.region"() ({
      %run_scoped3A = tpu.sem_alloc : memref<!tpu.dma_semaphore, #tpu.memory_space<semaphore_mem>>
      %dma_start3A = arith.constant 3264 : i32
      %dma_start3A_100 = tpu.memref_slice %arg8[%dma_start3A] : memref<8704xi32, #tpu.memory_space<vmem>> -> memref<544xi32, #tpu.memory_space<vmem>>
      %dma_start3A_101 = tpu.memref_slice %arg11[%add3A_56] : memref<139264xi32, #tpu.memory_space<vmem_shared>> -> memref<544xi32, #tpu.memory_space<vmem_shared>>
      %dma_start3A_102 = arith.constant 3264 : i32
      %dma_start3A_103 = tpu.memref_slice %arg8[%dma_start3A_102] : memref<8704xi32, #tpu.memory_space<vmem>> -> memref<544xi32, #tpu.memory_space<vmem>>
      %dma_start3A_104 = tpu.memref_slice %arg11[%add3A_56] : memref<139264xi32, #tpu.memory_space<vmem_shared>> -> memref<544xi32, #tpu.memory_space<vmem_shared>>
      tpu.enqueue_dma source(%dma_start3A_104 : memref<544xi32, #tpu.memory_space<vmem_shared>>) target(%dma_start3A_103 : memref<544xi32, #tpu.memory_space<vmem>>) target_semaphore(%run_scoped3A : memref<!tpu.dma_semaphore, #tpu.memory_space<semaphore_mem>>)
      %dma_wait3A = arith.constant 3264 : i32
      %dma_wait3A_105 = tpu.memref_slice %arg8[%dma_wait3A] : memref<8704xi32, #tpu.memory_space<vmem>> -> memref<544xi32, #tpu.memory_space<vmem>>
      %dma_wait3A_106 = tpu.memref_slice %arg11[%add3A_56] : memref<139264xi32, #tpu.memory_space<vmem_shared>> -> memref<544xi32, #tpu.memory_space<vmem_shared>>
      %dma_wait3A_107 = arith.constant 3264 : i32
      %dma_wait3A_108 = tpu.memref_slice %arg8[%dma_wait3A_107] : memref<8704xi32, #tpu.memory_space<vmem>> -> memref<544xi32, #tpu.memory_space<vmem>>
      %dma_wait3A_109 = tpu.memref_slice %arg11[%add3A_56] : memref<139264xi32, #tpu.memory_space<vmem_shared>> -> memref<544xi32, #tpu.memory_space<vmem_shared>>
      tpu.wait_dma2 semaphore(%run_scoped3A : memref<!tpu.dma_semaphore, #tpu.memory_space<semaphore_mem>>) src(%dma_wait3A_109 : memref<544xi32, #tpu.memory_space<vmem_shared>>) dst(%dma_wait3A_108 : memref<544xi32, #tpu.memory_space<vmem>>)
      tpu.yield
    }) : () -> ()
    %add3A_57 = arith.constant 60928 : i32
    %add3A_58 = arith.addi %add3A_57, %mul3A_29 : i32
    "tpu.region"() ({
      %run_scoped3A = tpu.sem_alloc : memref<!tpu.dma_semaphore, #tpu.memory_space<semaphore_mem>>
      %dma_start3A = arith.constant 3808 : i32
      %dma_start3A_100 = tpu.memref_slice %arg7[%dma_start3A] : memref<8704xi32, #tpu.memory_space<vmem>> -> memref<544xi32, #tpu.memory_space<vmem>>
      %dma_start3A_101 = tpu.memref_slice %arg10[%add3A_58] : memref<139264xi32, #tpu.memory_space<vmem_shared>> -> memref<544xi32, #tpu.memory_space<vmem_shared>>
      %dma_start3A_102 = arith.constant 3808 : i32
      %dma_start3A_103 = tpu.memref_slice %arg7[%dma_start3A_102] : memref<8704xi32, #tpu.memory_space<vmem>> -> memref<544xi32, #tpu.memory_space<vmem>>
      %dma_start3A_104 = tpu.memref_slice %arg10[%add3A_58] : memref<139264xi32, #tpu.memory_space<vmem_shared>> -> memref<544xi32, #tpu.memory_space<vmem_shared>>
      tpu.enqueue_dma source(%dma_start3A_104 : memref<544xi32, #tpu.memory_space<vmem_shared>>) target(%dma_start3A_103 : memref<544xi32, #tpu.memory_space<vmem>>) target_semaphore(%run_scoped3A : memref<!tpu.dma_semaphore, #tpu.memory_space<semaphore_mem>>)
      %dma_wait3A = arith.constant 3808 : i32
      %dma_wait3A_105 = tpu.memref_slice %arg7[%dma_wait3A] : memref<8704xi32, #tpu.memory_space<vmem>> -> memref<544xi32, #tpu.memory_space<vmem>>
      %dma_wait3A_106 = tpu.memref_slice %arg10[%add3A_58] : memref<139264xi32, #tpu.memory_space<vmem_shared>> -> memref<544xi32, #tpu.memory_space<vmem_shared>>
      %dma_wait3A_107 = arith.constant 3808 : i32
      %dma_wait3A_108 = tpu.memref_slice %arg7[%dma_wait3A_107] : memref<8704xi32, #tpu.memory_space<vmem>> -> memref<544xi32, #tpu.memory_space<vmem>>
      %dma_wait3A_109 = tpu.memref_slice %arg10[%add3A_58] : memref<139264xi32, #tpu.memory_space<vmem_shared>> -> memref<544xi32, #tpu.memory_space<vmem_shared>>
      tpu.wait_dma2 semaphore(%run_scoped3A : memref<!tpu.dma_semaphore, #tpu.memory_space<semaphore_mem>>) src(%dma_wait3A_109 : memref<544xi32, #tpu.memory_space<vmem_shared>>) dst(%dma_wait3A_108 : memref<544xi32, #tpu.memory_space<vmem>>)
      tpu.yield
    }) : () -> ()
    %add3A_59 = arith.constant 60928 : i32
    %add3A_60 = arith.addi %add3A_59, %mul3A_29 : i32
    "tpu.region"() ({
      %run_scoped3A = tpu.sem_alloc : memref<!tpu.dma_semaphore, #tpu.memory_space<semaphore_mem>>
      %dma_start3A = arith.constant 3808 : i32
      %dma_start3A_100 = tpu.memref_slice %arg8[%dma_start3A] : memref<8704xi32, #tpu.memory_space<vmem>> -> memref<544xi32, #tpu.memory_space<vmem>>
      %dma_start3A_101 = tpu.memref_slice %arg11[%add3A_60] : memref<139264xi32, #tpu.memory_space<vmem_shared>> -> memref<544xi32, #tpu.memory_space<vmem_shared>>
      %dma_start3A_102 = arith.constant 3808 : i32
      %dma_start3A_103 = tpu.memref_slice %arg8[%dma_start3A_102] : memref<8704xi32, #tpu.memory_space<vmem>> -> memref<544xi32, #tpu.memory_space<vmem>>
      %dma_start3A_104 = tpu.memref_slice %arg11[%add3A_60] : memref<139264xi32, #tpu.memory_space<vmem_shared>> -> memref<544xi32, #tpu.memory_space<vmem_shared>>
      tpu.enqueue_dma source(%dma_start3A_104 : memref<544xi32, #tpu.memory_space<vmem_shared>>) target(%dma_start3A_103 : memref<544xi32, #tpu.memory_space<vmem>>) target_semaphore(%run_scoped3A : memref<!tpu.dma_semaphore, #tpu.memory_space<semaphore_mem>>)
      %dma_wait3A = arith.constant 3808 : i32
      %dma_wait3A_105 = tpu.memref_slice %arg8[%dma_wait3A] : memref<8704xi32, #tpu.memory_space<vmem>> -> memref<544xi32, #tpu.memory_space<vmem>>
      %dma_wait3A_106 = tpu.memref_slice %arg11[%add3A_60] : memref<139264xi32, #tpu.memory_space<vmem_shared>> -> memref<544xi32, #tpu.memory_space<vmem_shared>>
      %dma_wait3A_107 = arith.constant 3808 : i32
      %dma_wait3A_108 = tpu.memref_slice %arg8[%dma_wait3A_107] : memref<8704xi32, #tpu.memory_space<vmem>> -> memref<544xi32, #tpu.memory_space<vmem>>
      %dma_wait3A_109 = tpu.memref_slice %arg11[%add3A_60] : memref<139264xi32, #tpu.memory_space<vmem_shared>> -> memref<544xi32, #tpu.memory_space<vmem_shared>>
      tpu.wait_dma2 semaphore(%run_scoped3A : memref<!tpu.dma_semaphore, #tpu.memory_space<semaphore_mem>>) src(%dma_wait3A_109 : memref<544xi32, #tpu.memory_space<vmem_shared>>) dst(%dma_wait3A_108 : memref<544xi32, #tpu.memory_space<vmem>>)
      tpu.yield
    }) : () -> ()
    %add3A_61 = arith.constant 69632 : i32
    %add3A_62 = arith.addi %add3A_61, %mul3A_29 : i32
    "tpu.region"() ({
      %run_scoped3A = tpu.sem_alloc : memref<!tpu.dma_semaphore, #tpu.memory_space<semaphore_mem>>
      %dma_start3A = arith.constant 4352 : i32
      %dma_start3A_100 = tpu.memref_slice %arg7[%dma_start3A] : memref<8704xi32, #tpu.memory_space<vmem>> -> memref<544xi32, #tpu.memory_space<vmem>>
      %dma_start3A_101 = tpu.memref_slice %arg10[%add3A_62] : memref<139264xi32, #tpu.memory_space<vmem_shared>> -> memref<544xi32, #tpu.memory_space<vmem_shared>>
      %dma_start3A_102 = arith.constant 4352 : i32
      %dma_start3A_103 = tpu.memref_slice %arg7[%dma_start3A_102] : memref<8704xi32, #tpu.memory_space<vmem>> -> memref<544xi32, #tpu.memory_space<vmem>>
      %dma_start3A_104 = tpu.memref_slice %arg10[%add3A_62] : memref<139264xi32, #tpu.memory_space<vmem_shared>> -> memref<544xi32, #tpu.memory_space<vmem_shared>>
      tpu.enqueue_dma source(%dma_start3A_104 : memref<544xi32, #tpu.memory_space<vmem_shared>>) target(%dma_start3A_103 : memref<544xi32, #tpu.memory_space<vmem>>) target_semaphore(%run_scoped3A : memref<!tpu.dma_semaphore, #tpu.memory_space<semaphore_mem>>)
      %dma_wait3A = arith.constant 4352 : i32
      %dma_wait3A_105 = tpu.memref_slice %arg7[%dma_wait3A] : memref<8704xi32, #tpu.memory_space<vmem>> -> memref<544xi32, #tpu.memory_space<vmem>>
      %dma_wait3A_106 = tpu.memref_slice %arg10[%add3A_62] : memref<139264xi32, #tpu.memory_space<vmem_shared>> -> memref<544xi32, #tpu.memory_space<vmem_shared>>
      %dma_wait3A_107 = arith.constant 4352 : i32
      %dma_wait3A_108 = tpu.memref_slice %arg7[%dma_wait3A_107] : memref<8704xi32, #tpu.memory_space<vmem>> -> memref<544xi32, #tpu.memory_space<vmem>>
      %dma_wait3A_109 = tpu.memref_slice %arg10[%add3A_62] : memref<139264xi32, #tpu.memory_space<vmem_shared>> -> memref<544xi32, #tpu.memory_space<vmem_shared>>
      tpu.wait_dma2 semaphore(%run_scoped3A : memref<!tpu.dma_semaphore, #tpu.memory_space<semaphore_mem>>) src(%dma_wait3A_109 : memref<544xi32, #tpu.memory_space<vmem_shared>>) dst(%dma_wait3A_108 : memref<544xi32, #tpu.memory_space<vmem>>)
      tpu.yield
    }) : () -> ()
    %add3A_63 = arith.constant 69632 : i32
    %add3A_64 = arith.addi %add3A_63, %mul3A_29 : i32
    "tpu.region"() ({
      %run_scoped3A = tpu.sem_alloc : memref<!tpu.dma_semaphore, #tpu.memory_space<semaphore_mem>>
      %dma_start3A = arith.constant 4352 : i32
      %dma_start3A_100 = tpu.memref_slice %arg8[%dma_start3A] : memref<8704xi32, #tpu.memory_space<vmem>> -> memref<544xi32, #tpu.memory_space<vmem>>
      %dma_start3A_101 = tpu.memref_slice %arg11[%add3A_64] : memref<139264xi32, #tpu.memory_space<vmem_shared>> -> memref<544xi32, #tpu.memory_space<vmem_shared>>
      %dma_start3A_102 = arith.constant 4352 : i32
      %dma_start3A_103 = tpu.memref_slice %arg8[%dma_start3A_102] : memref<8704xi32, #tpu.memory_space<vmem>> -> memref<544xi32, #tpu.memory_space<vmem>>
      %dma_start3A_104 = tpu.memref_slice %arg11[%add3A_64] : memref<139264xi32, #tpu.memory_space<vmem_shared>> -> memref<544xi32, #tpu.memory_space<vmem_shared>>
      tpu.enqueue_dma source(%dma_start3A_104 : memref<544xi32, #tpu.memory_space<vmem_shared>>) target(%dma_start3A_103 : memref<544xi32, #tpu.memory_space<vmem>>) target_semaphore(%run_scoped3A : memref<!tpu.dma_semaphore, #tpu.memory_space<semaphore_mem>>)
      %dma_wait3A = arith.constant 4352 : i32
      %dma_wait3A_105 = tpu.memref_slice %arg8[%dma_wait3A] : memref<8704xi32, #tpu.memory_space<vmem>> -> memref<544xi32, #tpu.memory_space<vmem>>
      %dma_wait3A_106 = tpu.memref_slice %arg11[%add3A_64] : memref<139264xi32, #tpu.memory_space<vmem_shared>> -> memref<544xi32, #tpu.memory_space<vmem_shared>>
      %dma_wait3A_107 = arith.constant 4352 : i32
      %dma_wait3A_108 = tpu.memref_slice %arg8[%dma_wait3A_107] : memref<8704xi32, #tpu.memory_space<vmem>> -> memref<544xi32, #tpu.memory_space<vmem>>
      %dma_wait3A_109 = tpu.memref_slice %arg11[%add3A_64] : memref<139264xi32, #tpu.memory_space<vmem_shared>> -> memref<544xi32, #tpu.memory_space<vmem_shared>>
      tpu.wait_dma2 semaphore(%run_scoped3A : memref<!tpu.dma_semaphore, #tpu.memory_space<semaphore_mem>>) src(%dma_wait3A_109 : memref<544xi32, #tpu.memory_space<vmem_shared>>) dst(%dma_wait3A_108 : memref<544xi32, #tpu.memory_space<vmem>>)
      tpu.yield
    }) : () -> ()
    %add3A_65 = arith.constant 78336 : i32
    %add3A_66 = arith.addi %add3A_65, %mul3A_29 : i32
    "tpu.region"() ({
      %run_scoped3A = tpu.sem_alloc : memref<!tpu.dma_semaphore, #tpu.memory_space<semaphore_mem>>
      %dma_start3A = arith.constant 4896 : i32
      %dma_start3A_100 = tpu.memref_slice %arg7[%dma_start3A] : memref<8704xi32, #tpu.memory_space<vmem>> -> memref<544xi32, #tpu.memory_space<vmem>>
      %dma_start3A_101 = tpu.memref_slice %arg10[%add3A_66] : memref<139264xi32, #tpu.memory_space<vmem_shared>> -> memref<544xi32, #tpu.memory_space<vmem_shared>>
      %dma_start3A_102 = arith.constant 4896 : i32
      %dma_start3A_103 = tpu.memref_slice %arg7[%dma_start3A_102] : memref<8704xi32, #tpu.memory_space<vmem>> -> memref<544xi32, #tpu.memory_space<vmem>>
      %dma_start3A_104 = tpu.memref_slice %arg10[%add3A_66] : memref<139264xi32, #tpu.memory_space<vmem_shared>> -> memref<544xi32, #tpu.memory_space<vmem_shared>>
      tpu.enqueue_dma source(%dma_start3A_104 : memref<544xi32, #tpu.memory_space<vmem_shared>>) target(%dma_start3A_103 : memref<544xi32, #tpu.memory_space<vmem>>) target_semaphore(%run_scoped3A : memref<!tpu.dma_semaphore, #tpu.memory_space<semaphore_mem>>)
      %dma_wait3A = arith.constant 4896 : i32
      %dma_wait3A_105 = tpu.memref_slice %arg7[%dma_wait3A] : memref<8704xi32, #tpu.memory_space<vmem>> -> memref<544xi32, #tpu.memory_space<vmem>>
      %dma_wait3A_106 = tpu.memref_slice %arg10[%add3A_66] : memref<139264xi32, #tpu.memory_space<vmem_shared>> -> memref<544xi32, #tpu.memory_space<vmem_shared>>
      %dma_wait3A_107 = arith.constant 4896 : i32
      %dma_wait3A_108 = tpu.memref_slice %arg7[%dma_wait3A_107] : memref<8704xi32, #tpu.memory_space<vmem>> -> memref<544xi32, #tpu.memory_space<vmem>>
      %dma_wait3A_109 = tpu.memref_slice %arg10[%add3A_66] : memref<139264xi32, #tpu.memory_space<vmem_shared>> -> memref<544xi32, #tpu.memory_space<vmem_shared>>
      tpu.wait_dma2 semaphore(%run_scoped3A : memref<!tpu.dma_semaphore, #tpu.memory_space<semaphore_mem>>) src(%dma_wait3A_109 : memref<544xi32, #tpu.memory_space<vmem_shared>>) dst(%dma_wait3A_108 : memref<544xi32, #tpu.memory_space<vmem>>)
      tpu.yield
    }) : () -> ()
    %add3A_67 = arith.constant 78336 : i32
    %add3A_68 = arith.addi %add3A_67, %mul3A_29 : i32
    "tpu.region"() ({
      %run_scoped3A = tpu.sem_alloc : memref<!tpu.dma_semaphore, #tpu.memory_space<semaphore_mem>>
      %dma_start3A = arith.constant 4896 : i32
      %dma_start3A_100 = tpu.memref_slice %arg8[%dma_start3A] : memref<8704xi32, #tpu.memory_space<vmem>> -> memref<544xi32, #tpu.memory_space<vmem>>
      %dma_start3A_101 = tpu.memref_slice %arg11[%add3A_68] : memref<139264xi32, #tpu.memory_space<vmem_shared>> -> memref<544xi32, #tpu.memory_space<vmem_shared>>
      %dma_start3A_102 = arith.constant 4896 : i32
      %dma_start3A_103 = tpu.memref_slice %arg8[%dma_start3A_102] : memref<8704xi32, #tpu.memory_space<vmem>> -> memref<544xi32, #tpu.memory_space<vmem>>
      %dma_start3A_104 = tpu.memref_slice %arg11[%add3A_68] : memref<139264xi32, #tpu.memory_space<vmem_shared>> -> memref<544xi32, #tpu.memory_space<vmem_shared>>
      tpu.enqueue_dma source(%dma_start3A_104 : memref<544xi32, #tpu.memory_space<vmem_shared>>) target(%dma_start3A_103 : memref<544xi32, #tpu.memory_space<vmem>>) target_semaphore(%run_scoped3A : memref<!tpu.dma_semaphore, #tpu.memory_space<semaphore_mem>>)
      %dma_wait3A = arith.constant 4896 : i32
      %dma_wait3A_105 = tpu.memref_slice %arg8[%dma_wait3A] : memref<8704xi32, #tpu.memory_space<vmem>> -> memref<544xi32, #tpu.memory_space<vmem>>
      %dma_wait3A_106 = tpu.memref_slice %arg11[%add3A_68] : memref<139264xi32, #tpu.memory_space<vmem_shared>> -> memref<544xi32, #tpu.memory_space<vmem_shared>>
      %dma_wait3A_107 = arith.constant 4896 : i32
      %dma_wait3A_108 = tpu.memref_slice %arg8[%dma_wait3A_107] : memref<8704xi32, #tpu.memory_space<vmem>> -> memref<544xi32, #tpu.memory_space<vmem>>
      %dma_wait3A_109 = tpu.memref_slice %arg11[%add3A_68] : memref<139264xi32, #tpu.memory_space<vmem_shared>> -> memref<544xi32, #tpu.memory_space<vmem_shared>>
      tpu.wait_dma2 semaphore(%run_scoped3A : memref<!tpu.dma_semaphore, #tpu.memory_space<semaphore_mem>>) src(%dma_wait3A_109 : memref<544xi32, #tpu.memory_space<vmem_shared>>) dst(%dma_wait3A_108 : memref<544xi32, #tpu.memory_space<vmem>>)
      tpu.yield
    }) : () -> ()
    %add3A_69 = arith.constant 87040 : i32
    %add3A_70 = arith.addi %add3A_69, %mul3A_29 : i32
    "tpu.region"() ({
      %run_scoped3A = tpu.sem_alloc : memref<!tpu.dma_semaphore, #tpu.memory_space<semaphore_mem>>
      %dma_start3A = arith.constant 5440 : i32
      %dma_start3A_100 = tpu.memref_slice %arg7[%dma_start3A] : memref<8704xi32, #tpu.memory_space<vmem>> -> memref<544xi32, #tpu.memory_space<vmem>>
      %dma_start3A_101 = tpu.memref_slice %arg10[%add3A_70] : memref<139264xi32, #tpu.memory_space<vmem_shared>> -> memref<544xi32, #tpu.memory_space<vmem_shared>>
      %dma_start3A_102 = arith.constant 5440 : i32
      %dma_start3A_103 = tpu.memref_slice %arg7[%dma_start3A_102] : memref<8704xi32, #tpu.memory_space<vmem>> -> memref<544xi32, #tpu.memory_space<vmem>>
      %dma_start3A_104 = tpu.memref_slice %arg10[%add3A_70] : memref<139264xi32, #tpu.memory_space<vmem_shared>> -> memref<544xi32, #tpu.memory_space<vmem_shared>>
      tpu.enqueue_dma source(%dma_start3A_104 : memref<544xi32, #tpu.memory_space<vmem_shared>>) target(%dma_start3A_103 : memref<544xi32, #tpu.memory_space<vmem>>) target_semaphore(%run_scoped3A : memref<!tpu.dma_semaphore, #tpu.memory_space<semaphore_mem>>)
      %dma_wait3A = arith.constant 5440 : i32
      %dma_wait3A_105 = tpu.memref_slice %arg7[%dma_wait3A] : memref<8704xi32, #tpu.memory_space<vmem>> -> memref<544xi32, #tpu.memory_space<vmem>>
      %dma_wait3A_106 = tpu.memref_slice %arg10[%add3A_70] : memref<139264xi32, #tpu.memory_space<vmem_shared>> -> memref<544xi32, #tpu.memory_space<vmem_shared>>
      %dma_wait3A_107 = arith.constant 5440 : i32
      %dma_wait3A_108 = tpu.memref_slice %arg7[%dma_wait3A_107] : memref<8704xi32, #tpu.memory_space<vmem>> -> memref<544xi32, #tpu.memory_space<vmem>>
      %dma_wait3A_109 = tpu.memref_slice %arg10[%add3A_70] : memref<139264xi32, #tpu.memory_space<vmem_shared>> -> memref<544xi32, #tpu.memory_space<vmem_shared>>
      tpu.wait_dma2 semaphore(%run_scoped3A : memref<!tpu.dma_semaphore, #tpu.memory_space<semaphore_mem>>) src(%dma_wait3A_109 : memref<544xi32, #tpu.memory_space<vmem_shared>>) dst(%dma_wait3A_108 : memref<544xi32, #tpu.memory_space<vmem>>)
      tpu.yield
    }) : () -> ()
    %add3A_71 = arith.constant 87040 : i32
    %add3A_72 = arith.addi %add3A_71, %mul3A_29 : i32
    "tpu.region"() ({
      %run_scoped3A = tpu.sem_alloc : memref<!tpu.dma_semaphore, #tpu.memory_space<semaphore_mem>>
      %dma_start3A = arith.constant 5440 : i32
      %dma_start3A_100 = tpu.memref_slice %arg8[%dma_start3A] : memref<8704xi32, #tpu.memory_space<vmem>> -> memref<544xi32, #tpu.memory_space<vmem>>
      %dma_start3A_101 = tpu.memref_slice %arg11[%add3A_72] : memref<139264xi32, #tpu.memory_space<vmem_shared>> -> memref<544xi32, #tpu.memory_space<vmem_shared>>
      %dma_start3A_102 = arith.constant 5440 : i32
      %dma_start3A_103 = tpu.memref_slice %arg8[%dma_start3A_102] : memref<8704xi32, #tpu.memory_space<vmem>> -> memref<544xi32, #tpu.memory_space<vmem>>
      %dma_start3A_104 = tpu.memref_slice %arg11[%add3A_72] : memref<139264xi32, #tpu.memory_space<vmem_shared>> -> memref<544xi32, #tpu.memory_space<vmem_shared>>
      tpu.enqueue_dma source(%dma_start3A_104 : memref<544xi32, #tpu.memory_space<vmem_shared>>) target(%dma_start3A_103 : memref<544xi32, #tpu.memory_space<vmem>>) target_semaphore(%run_scoped3A : memref<!tpu.dma_semaphore, #tpu.memory_space<semaphore_mem>>)
      %dma_wait3A = arith.constant 5440 : i32
      %dma_wait3A_105 = tpu.memref_slice %arg8[%dma_wait3A] : memref<8704xi32, #tpu.memory_space<vmem>> -> memref<544xi32, #tpu.memory_space<vmem>>
      %dma_wait3A_106 = tpu.memref_slice %arg11[%add3A_72] : memref<139264xi32, #tpu.memory_space<vmem_shared>> -> memref<544xi32, #tpu.memory_space<vmem_shared>>
      %dma_wait3A_107 = arith.constant 5440 : i32
      %dma_wait3A_108 = tpu.memref_slice %arg8[%dma_wait3A_107] : memref<8704xi32, #tpu.memory_space<vmem>> -> memref<544xi32, #tpu.memory_space<vmem>>
      %dma_wait3A_109 = tpu.memref_slice %arg11[%add3A_72] : memref<139264xi32, #tpu.memory_space<vmem_shared>> -> memref<544xi32, #tpu.memory_space<vmem_shared>>
      tpu.wait_dma2 semaphore(%run_scoped3A : memref<!tpu.dma_semaphore, #tpu.memory_space<semaphore_mem>>) src(%dma_wait3A_109 : memref<544xi32, #tpu.memory_space<vmem_shared>>) dst(%dma_wait3A_108 : memref<544xi32, #tpu.memory_space<vmem>>)
      tpu.yield
    }) : () -> ()
    %add3A_73 = arith.constant 95744 : i32
    %add3A_74 = arith.addi %add3A_73, %mul3A_29 : i32
    "tpu.region"() ({
      %run_scoped3A = tpu.sem_alloc : memref<!tpu.dma_semaphore, #tpu.memory_space<semaphore_mem>>
      %dma_start3A = arith.constant 5984 : i32
      %dma_start3A_100 = tpu.memref_slice %arg7[%dma_start3A] : memref<8704xi32, #tpu.memory_space<vmem>> -> memref<544xi32, #tpu.memory_space<vmem>>
      %dma_start3A_101 = tpu.memref_slice %arg10[%add3A_74] : memref<139264xi32, #tpu.memory_space<vmem_shared>> -> memref<544xi32, #tpu.memory_space<vmem_shared>>
      %dma_start3A_102 = arith.constant 5984 : i32
      %dma_start3A_103 = tpu.memref_slice %arg7[%dma_start3A_102] : memref<8704xi32, #tpu.memory_space<vmem>> -> memref<544xi32, #tpu.memory_space<vmem>>
      %dma_start3A_104 = tpu.memref_slice %arg10[%add3A_74] : memref<139264xi32, #tpu.memory_space<vmem_shared>> -> memref<544xi32, #tpu.memory_space<vmem_shared>>
      tpu.enqueue_dma source(%dma_start3A_104 : memref<544xi32, #tpu.memory_space<vmem_shared>>) target(%dma_start3A_103 : memref<544xi32, #tpu.memory_space<vmem>>) target_semaphore(%run_scoped3A : memref<!tpu.dma_semaphore, #tpu.memory_space<semaphore_mem>>)
      %dma_wait3A = arith.constant 5984 : i32
      %dma_wait3A_105 = tpu.memref_slice %arg7[%dma_wait3A] : memref<8704xi32, #tpu.memory_space<vmem>> -> memref<544xi32, #tpu.memory_space<vmem>>
      %dma_wait3A_106 = tpu.memref_slice %arg10[%add3A_74] : memref<139264xi32, #tpu.memory_space<vmem_shared>> -> memref<544xi32, #tpu.memory_space<vmem_shared>>
      %dma_wait3A_107 = arith.constant 5984 : i32
      %dma_wait3A_108 = tpu.memref_slice %arg7[%dma_wait3A_107] : memref<8704xi32, #tpu.memory_space<vmem>> -> memref<544xi32, #tpu.memory_space<vmem>>
      %dma_wait3A_109 = tpu.memref_slice %arg10[%add3A_74] : memref<139264xi32, #tpu.memory_space<vmem_shared>> -> memref<544xi32, #tpu.memory_space<vmem_shared>>
      tpu.wait_dma2 semaphore(%run_scoped3A : memref<!tpu.dma_semaphore, #tpu.memory_space<semaphore_mem>>) src(%dma_wait3A_109 : memref<544xi32, #tpu.memory_space<vmem_shared>>) dst(%dma_wait3A_108 : memref<544xi32, #tpu.memory_space<vmem>>)
      tpu.yield
    }) : () -> ()
    %add3A_75 = arith.constant 95744 : i32
    %add3A_76 = arith.addi %add3A_75, %mul3A_29 : i32
    "tpu.region"() ({
      %run_scoped3A = tpu.sem_alloc : memref<!tpu.dma_semaphore, #tpu.memory_space<semaphore_mem>>
      %dma_start3A = arith.constant 5984 : i32
      %dma_start3A_100 = tpu.memref_slice %arg8[%dma_start3A] : memref<8704xi32, #tpu.memory_space<vmem>> -> memref<544xi32, #tpu.memory_space<vmem>>
      %dma_start3A_101 = tpu.memref_slice %arg11[%add3A_76] : memref<139264xi32, #tpu.memory_space<vmem_shared>> -> memref<544xi32, #tpu.memory_space<vmem_shared>>
      %dma_start3A_102 = arith.constant 5984 : i32
      %dma_start3A_103 = tpu.memref_slice %arg8[%dma_start3A_102] : memref<8704xi32, #tpu.memory_space<vmem>> -> memref<544xi32, #tpu.memory_space<vmem>>
      %dma_start3A_104 = tpu.memref_slice %arg11[%add3A_76] : memref<139264xi32, #tpu.memory_space<vmem_shared>> -> memref<544xi32, #tpu.memory_space<vmem_shared>>
      tpu.enqueue_dma source(%dma_start3A_104 : memref<544xi32, #tpu.memory_space<vmem_shared>>) target(%dma_start3A_103 : memref<544xi32, #tpu.memory_space<vmem>>) target_semaphore(%run_scoped3A : memref<!tpu.dma_semaphore, #tpu.memory_space<semaphore_mem>>)
      %dma_wait3A = arith.constant 5984 : i32
      %dma_wait3A_105 = tpu.memref_slice %arg8[%dma_wait3A] : memref<8704xi32, #tpu.memory_space<vmem>> -> memref<544xi32, #tpu.memory_space<vmem>>
      %dma_wait3A_106 = tpu.memref_slice %arg11[%add3A_76] : memref<139264xi32, #tpu.memory_space<vmem_shared>> -> memref<544xi32, #tpu.memory_space<vmem_shared>>
      %dma_wait3A_107 = arith.constant 5984 : i32
      %dma_wait3A_108 = tpu.memref_slice %arg8[%dma_wait3A_107] : memref<8704xi32, #tpu.memory_space<vmem>> -> memref<544xi32, #tpu.memory_space<vmem>>
      %dma_wait3A_109 = tpu.memref_slice %arg11[%add3A_76] : memref<139264xi32, #tpu.memory_space<vmem_shared>> -> memref<544xi32, #tpu.memory_space<vmem_shared>>
      tpu.wait_dma2 semaphore(%run_scoped3A : memref<!tpu.dma_semaphore, #tpu.memory_space<semaphore_mem>>) src(%dma_wait3A_109 : memref<544xi32, #tpu.memory_space<vmem_shared>>) dst(%dma_wait3A_108 : memref<544xi32, #tpu.memory_space<vmem>>)
      tpu.yield
    }) : () -> ()
    %add3A_77 = arith.constant 104448 : i32
    %add3A_78 = arith.addi %add3A_77, %mul3A_29 : i32
    "tpu.region"() ({
      %run_scoped3A = tpu.sem_alloc : memref<!tpu.dma_semaphore, #tpu.memory_space<semaphore_mem>>
      %dma_start3A = arith.constant 6528 : i32
      %dma_start3A_100 = tpu.memref_slice %arg7[%dma_start3A] : memref<8704xi32, #tpu.memory_space<vmem>> -> memref<544xi32, #tpu.memory_space<vmem>>
      %dma_start3A_101 = tpu.memref_slice %arg10[%add3A_78] : memref<139264xi32, #tpu.memory_space<vmem_shared>> -> memref<544xi32, #tpu.memory_space<vmem_shared>>
      %dma_start3A_102 = arith.constant 6528 : i32
      %dma_start3A_103 = tpu.memref_slice %arg7[%dma_start3A_102] : memref<8704xi32, #tpu.memory_space<vmem>> -> memref<544xi32, #tpu.memory_space<vmem>>
      %dma_start3A_104 = tpu.memref_slice %arg10[%add3A_78] : memref<139264xi32, #tpu.memory_space<vmem_shared>> -> memref<544xi32, #tpu.memory_space<vmem_shared>>
      tpu.enqueue_dma source(%dma_start3A_104 : memref<544xi32, #tpu.memory_space<vmem_shared>>) target(%dma_start3A_103 : memref<544xi32, #tpu.memory_space<vmem>>) target_semaphore(%run_scoped3A : memref<!tpu.dma_semaphore, #tpu.memory_space<semaphore_mem>>)
      %dma_wait3A = arith.constant 6528 : i32
      %dma_wait3A_105 = tpu.memref_slice %arg7[%dma_wait3A] : memref<8704xi32, #tpu.memory_space<vmem>> -> memref<544xi32, #tpu.memory_space<vmem>>
      %dma_wait3A_106 = tpu.memref_slice %arg10[%add3A_78] : memref<139264xi32, #tpu.memory_space<vmem_shared>> -> memref<544xi32, #tpu.memory_space<vmem_shared>>
      %dma_wait3A_107 = arith.constant 6528 : i32
      %dma_wait3A_108 = tpu.memref_slice %arg7[%dma_wait3A_107] : memref<8704xi32, #tpu.memory_space<vmem>> -> memref<544xi32, #tpu.memory_space<vmem>>
      %dma_wait3A_109 = tpu.memref_slice %arg10[%add3A_78] : memref<139264xi32, #tpu.memory_space<vmem_shared>> -> memref<544xi32, #tpu.memory_space<vmem_shared>>
      tpu.wait_dma2 semaphore(%run_scoped3A : memref<!tpu.dma_semaphore, #tpu.memory_space<semaphore_mem>>) src(%dma_wait3A_109 : memref<544xi32, #tpu.memory_space<vmem_shared>>) dst(%dma_wait3A_108 : memref<544xi32, #tpu.memory_space<vmem>>)
      tpu.yield
    }) : () -> ()
    %add3A_79 = arith.constant 104448 : i32
    %add3A_80 = arith.addi %add3A_79, %mul3A_29 : i32
    "tpu.region"() ({
      %run_scoped3A = tpu.sem_alloc : memref<!tpu.dma_semaphore, #tpu.memory_space<semaphore_mem>>
      %dma_start3A = arith.constant 6528 : i32
      %dma_start3A_100 = tpu.memref_slice %arg8[%dma_start3A] : memref<8704xi32, #tpu.memory_space<vmem>> -> memref<544xi32, #tpu.memory_space<vmem>>
      %dma_start3A_101 = tpu.memref_slice %arg11[%add3A_80] : memref<139264xi32, #tpu.memory_space<vmem_shared>> -> memref<544xi32, #tpu.memory_space<vmem_shared>>
      %dma_start3A_102 = arith.constant 6528 : i32
      %dma_start3A_103 = tpu.memref_slice %arg8[%dma_start3A_102] : memref<8704xi32, #tpu.memory_space<vmem>> -> memref<544xi32, #tpu.memory_space<vmem>>
      %dma_start3A_104 = tpu.memref_slice %arg11[%add3A_80] : memref<139264xi32, #tpu.memory_space<vmem_shared>> -> memref<544xi32, #tpu.memory_space<vmem_shared>>
      tpu.enqueue_dma source(%dma_start3A_104 : memref<544xi32, #tpu.memory_space<vmem_shared>>) target(%dma_start3A_103 : memref<544xi32, #tpu.memory_space<vmem>>) target_semaphore(%run_scoped3A : memref<!tpu.dma_semaphore, #tpu.memory_space<semaphore_mem>>)
      %dma_wait3A = arith.constant 6528 : i32
      %dma_wait3A_105 = tpu.memref_slice %arg8[%dma_wait3A] : memref<8704xi32, #tpu.memory_space<vmem>> -> memref<544xi32, #tpu.memory_space<vmem>>
      %dma_wait3A_106 = tpu.memref_slice %arg11[%add3A_80] : memref<139264xi32, #tpu.memory_space<vmem_shared>> -> memref<544xi32, #tpu.memory_space<vmem_shared>>
      %dma_wait3A_107 = arith.constant 6528 : i32
      %dma_wait3A_108 = tpu.memref_slice %arg8[%dma_wait3A_107] : memref<8704xi32, #tpu.memory_space<vmem>> -> memref<544xi32, #tpu.memory_space<vmem>>
      %dma_wait3A_109 = tpu.memref_slice %arg11[%add3A_80] : memref<139264xi32, #tpu.memory_space<vmem_shared>> -> memref<544xi32, #tpu.memory_space<vmem_shared>>
      tpu.wait_dma2 semaphore(%run_scoped3A : memref<!tpu.dma_semaphore, #tpu.memory_space<semaphore_mem>>) src(%dma_wait3A_109 : memref<544xi32, #tpu.memory_space<vmem_shared>>) dst(%dma_wait3A_108 : memref<544xi32, #tpu.memory_space<vmem>>)
      tpu.yield
    }) : () -> ()
    %add3A_81 = arith.constant 113152 : i32
    %add3A_82 = arith.addi %add3A_81, %mul3A_29 : i32
    "tpu.region"() ({
      %run_scoped3A = tpu.sem_alloc : memref<!tpu.dma_semaphore, #tpu.memory_space<semaphore_mem>>
      %dma_start3A = arith.constant 7072 : i32
      %dma_start3A_100 = tpu.memref_slice %arg7[%dma_start3A] : memref<8704xi32, #tpu.memory_space<vmem>> -> memref<544xi32, #tpu.memory_space<vmem>>
      %dma_start3A_101 = tpu.memref_slice %arg10[%add3A_82] : memref<139264xi32, #tpu.memory_space<vmem_shared>> -> memref<544xi32, #tpu.memory_space<vmem_shared>>
      %dma_start3A_102 = arith.constant 7072 : i32
      %dma_start3A_103 = tpu.memref_slice %arg7[%dma_start3A_102] : memref<8704xi32, #tpu.memory_space<vmem>> -> memref<544xi32, #tpu.memory_space<vmem>>
      %dma_start3A_104 = tpu.memref_slice %arg10[%add3A_82] : memref<139264xi32, #tpu.memory_space<vmem_shared>> -> memref<544xi32, #tpu.memory_space<vmem_shared>>
      tpu.enqueue_dma source(%dma_start3A_104 : memref<544xi32, #tpu.memory_space<vmem_shared>>) target(%dma_start3A_103 : memref<544xi32, #tpu.memory_space<vmem>>) target_semaphore(%run_scoped3A : memref<!tpu.dma_semaphore, #tpu.memory_space<semaphore_mem>>)
      %dma_wait3A = arith.constant 7072 : i32
      %dma_wait3A_105 = tpu.memref_slice %arg7[%dma_wait3A] : memref<8704xi32, #tpu.memory_space<vmem>> -> memref<544xi32, #tpu.memory_space<vmem>>
      %dma_wait3A_106 = tpu.memref_slice %arg10[%add3A_82] : memref<139264xi32, #tpu.memory_space<vmem_shared>> -> memref<544xi32, #tpu.memory_space<vmem_shared>>
      %dma_wait3A_107 = arith.constant 7072 : i32
      %dma_wait3A_108 = tpu.memref_slice %arg7[%dma_wait3A_107] : memref<8704xi32, #tpu.memory_space<vmem>> -> memref<544xi32, #tpu.memory_space<vmem>>
      %dma_wait3A_109 = tpu.memref_slice %arg10[%add3A_82] : memref<139264xi32, #tpu.memory_space<vmem_shared>> -> memref<544xi32, #tpu.memory_space<vmem_shared>>
      tpu.wait_dma2 semaphore(%run_scoped3A : memref<!tpu.dma_semaphore, #tpu.memory_space<semaphore_mem>>) src(%dma_wait3A_109 : memref<544xi32, #tpu.memory_space<vmem_shared>>) dst(%dma_wait3A_108 : memref<544xi32, #tpu.memory_space<vmem>>)
      tpu.yield
    }) : () -> ()
    %add3A_83 = arith.constant 113152 : i32
    %add3A_84 = arith.addi %add3A_83, %mul3A_29 : i32
    "tpu.region"() ({
      %run_scoped3A = tpu.sem_alloc : memref<!tpu.dma_semaphore, #tpu.memory_space<semaphore_mem>>
      %dma_start3A = arith.constant 7072 : i32
      %dma_start3A_100 = tpu.memref_slice %arg8[%dma_start3A] : memref<8704xi32, #tpu.memory_space<vmem>> -> memref<544xi32, #tpu.memory_space<vmem>>
      %dma_start3A_101 = tpu.memref_slice %arg11[%add3A_84] : memref<139264xi32, #tpu.memory_space<vmem_shared>> -> memref<544xi32, #tpu.memory_space<vmem_shared>>
      %dma_start3A_102 = arith.constant 7072 : i32
      %dma_start3A_103 = tpu.memref_slice %arg8[%dma_start3A_102] : memref<8704xi32, #tpu.memory_space<vmem>> -> memref<544xi32, #tpu.memory_space<vmem>>
      %dma_start3A_104 = tpu.memref_slice %arg11[%add3A_84] : memref<139264xi32, #tpu.memory_space<vmem_shared>> -> memref<544xi32, #tpu.memory_space<vmem_shared>>
      tpu.enqueue_dma source(%dma_start3A_104 : memref<544xi32, #tpu.memory_space<vmem_shared>>) target(%dma_start3A_103 : memref<544xi32, #tpu.memory_space<vmem>>) target_semaphore(%run_scoped3A : memref<!tpu.dma_semaphore, #tpu.memory_space<semaphore_mem>>)
      %dma_wait3A = arith.constant 7072 : i32
      %dma_wait3A_105 = tpu.memref_slice %arg8[%dma_wait3A] : memref<8704xi32, #tpu.memory_space<vmem>> -> memref<544xi32, #tpu.memory_space<vmem>>
      %dma_wait3A_106 = tpu.memref_slice %arg11[%add3A_84] : memref<139264xi32, #tpu.memory_space<vmem_shared>> -> memref<544xi32, #tpu.memory_space<vmem_shared>>
      %dma_wait3A_107 = arith.constant 7072 : i32
      %dma_wait3A_108 = tpu.memref_slice %arg8[%dma_wait3A_107] : memref<8704xi32, #tpu.memory_space<vmem>> -> memref<544xi32, #tpu.memory_space<vmem>>
      %dma_wait3A_109 = tpu.memref_slice %arg11[%add3A_84] : memref<139264xi32, #tpu.memory_space<vmem_shared>> -> memref<544xi32, #tpu.memory_space<vmem_shared>>
      tpu.wait_dma2 semaphore(%run_scoped3A : memref<!tpu.dma_semaphore, #tpu.memory_space<semaphore_mem>>) src(%dma_wait3A_109 : memref<544xi32, #tpu.memory_space<vmem_shared>>) dst(%dma_wait3A_108 : memref<544xi32, #tpu.memory_space<vmem>>)
      tpu.yield
    }) : () -> ()
    %add3A_85 = arith.constant 121856 : i32
    %add3A_86 = arith.addi %add3A_85, %mul3A_29 : i32
    "tpu.region"() ({
      %run_scoped3A = tpu.sem_alloc : memref<!tpu.dma_semaphore, #tpu.memory_space<semaphore_mem>>
      %dma_start3A = arith.constant 7616 : i32
      %dma_start3A_100 = tpu.memref_slice %arg7[%dma_start3A] : memref<8704xi32, #tpu.memory_space<vmem>> -> memref<544xi32, #tpu.memory_space<vmem>>
      %dma_start3A_101 = tpu.memref_slice %arg10[%add3A_86] : memref<139264xi32, #tpu.memory_space<vmem_shared>> -> memref<544xi32, #tpu.memory_space<vmem_shared>>
      %dma_start3A_102 = arith.constant 7616 : i32
      %dma_start3A_103 = tpu.memref_slice %arg7[%dma_start3A_102] : memref<8704xi32, #tpu.memory_space<vmem>> -> memref<544xi32, #tpu.memory_space<vmem>>
      %dma_start3A_104 = tpu.memref_slice %arg10[%add3A_86] : memref<139264xi32, #tpu.memory_space<vmem_shared>> -> memref<544xi32, #tpu.memory_space<vmem_shared>>
      tpu.enqueue_dma source(%dma_start3A_104 : memref<544xi32, #tpu.memory_space<vmem_shared>>) target(%dma_start3A_103 : memref<544xi32, #tpu.memory_space<vmem>>) target_semaphore(%run_scoped3A : memref<!tpu.dma_semaphore, #tpu.memory_space<semaphore_mem>>)
      %dma_wait3A = arith.constant 7616 : i32
      %dma_wait3A_105 = tpu.memref_slice %arg7[%dma_wait3A] : memref<8704xi32, #tpu.memory_space<vmem>> -> memref<544xi32, #tpu.memory_space<vmem>>
      %dma_wait3A_106 = tpu.memref_slice %arg10[%add3A_86] : memref<139264xi32, #tpu.memory_space<vmem_shared>> -> memref<544xi32, #tpu.memory_space<vmem_shared>>
      %dma_wait3A_107 = arith.constant 7616 : i32
      %dma_wait3A_108 = tpu.memref_slice %arg7[%dma_wait3A_107] : memref<8704xi32, #tpu.memory_space<vmem>> -> memref<544xi32, #tpu.memory_space<vmem>>
      %dma_wait3A_109 = tpu.memref_slice %arg10[%add3A_86] : memref<139264xi32, #tpu.memory_space<vmem_shared>> -> memref<544xi32, #tpu.memory_space<vmem_shared>>
      tpu.wait_dma2 semaphore(%run_scoped3A : memref<!tpu.dma_semaphore, #tpu.memory_space<semaphore_mem>>) src(%dma_wait3A_109 : memref<544xi32, #tpu.memory_space<vmem_shared>>) dst(%dma_wait3A_108 : memref<544xi32, #tpu.memory_space<vmem>>)
      tpu.yield
    }) : () -> ()
    %add3A_87 = arith.constant 121856 : i32
    %add3A_88 = arith.addi %add3A_87, %mul3A_29 : i32
    "tpu.region"() ({
      %run_scoped3A = tpu.sem_alloc : memref<!tpu.dma_semaphore, #tpu.memory_space<semaphore_mem>>
      %dma_start3A = arith.constant 7616 : i32
      %dma_start3A_100 = tpu.memref_slice %arg8[%dma_start3A] : memref<8704xi32, #tpu.memory_space<vmem>> -> memref<544xi32, #tpu.memory_space<vmem>>
      %dma_start3A_101 = tpu.memref_slice %arg11[%add3A_88] : memref<139264xi32, #tpu.memory_space<vmem_shared>> -> memref<544xi32, #tpu.memory_space<vmem_shared>>
      %dma_start3A_102 = arith.constant 7616 : i32
      %dma_start3A_103 = tpu.memref_slice %arg8[%dma_start3A_102] : memref<8704xi32, #tpu.memory_space<vmem>> -> memref<544xi32, #tpu.memory_space<vmem>>
      %dma_start3A_104 = tpu.memref_slice %arg11[%add3A_88] : memref<139264xi32, #tpu.memory_space<vmem_shared>> -> memref<544xi32, #tpu.memory_space<vmem_shared>>
      tpu.enqueue_dma source(%dma_start3A_104 : memref<544xi32, #tpu.memory_space<vmem_shared>>) target(%dma_start3A_103 : memref<544xi32, #tpu.memory_space<vmem>>) target_semaphore(%run_scoped3A : memref<!tpu.dma_semaphore, #tpu.memory_space<semaphore_mem>>)
      %dma_wait3A = arith.constant 7616 : i32
      %dma_wait3A_105 = tpu.memref_slice %arg8[%dma_wait3A] : memref<8704xi32, #tpu.memory_space<vmem>> -> memref<544xi32, #tpu.memory_space<vmem>>
      %dma_wait3A_106 = tpu.memref_slice %arg11[%add3A_88] : memref<139264xi32, #tpu.memory_space<vmem_shared>> -> memref<544xi32, #tpu.memory_space<vmem_shared>>
      %dma_wait3A_107 = arith.constant 7616 : i32
      %dma_wait3A_108 = tpu.memref_slice %arg8[%dma_wait3A_107] : memref<8704xi32, #tpu.memory_space<vmem>> -> memref<544xi32, #tpu.memory_space<vmem>>
      %dma_wait3A_109 = tpu.memref_slice %arg11[%add3A_88] : memref<139264xi32, #tpu.memory_space<vmem_shared>> -> memref<544xi32, #tpu.memory_space<vmem_shared>>
      tpu.wait_dma2 semaphore(%run_scoped3A : memref<!tpu.dma_semaphore, #tpu.memory_space<semaphore_mem>>) src(%dma_wait3A_109 : memref<544xi32, #tpu.memory_space<vmem_shared>>) dst(%dma_wait3A_108 : memref<544xi32, #tpu.memory_space<vmem>>)
      tpu.yield
    }) : () -> ()
    %add3A_89 = arith.constant 130560 : i32
    %add3A_90 = arith.addi %add3A_89, %mul3A_29 : i32
    "tpu.region"() ({
      %run_scoped3A = tpu.sem_alloc : memref<!tpu.dma_semaphore, #tpu.memory_space<semaphore_mem>>
      %dma_start3A = arith.constant 8160 : i32
      %dma_start3A_100 = tpu.memref_slice %arg7[%dma_start3A] : memref<8704xi32, #tpu.memory_space<vmem>> -> memref<544xi32, #tpu.memory_space<vmem>>
      %dma_start3A_101 = tpu.memref_slice %arg10[%add3A_90] : memref<139264xi32, #tpu.memory_space<vmem_shared>> -> memref<544xi32, #tpu.memory_space<vmem_shared>>
      %dma_start3A_102 = arith.constant 8160 : i32
      %dma_start3A_103 = tpu.memref_slice %arg7[%dma_start3A_102] : memref<8704xi32, #tpu.memory_space<vmem>> -> memref<544xi32, #tpu.memory_space<vmem>>
      %dma_start3A_104 = tpu.memref_slice %arg10[%add3A_90] : memref<139264xi32, #tpu.memory_space<vmem_shared>> -> memref<544xi32, #tpu.memory_space<vmem_shared>>
      tpu.enqueue_dma source(%dma_start3A_104 : memref<544xi32, #tpu.memory_space<vmem_shared>>) target(%dma_start3A_103 : memref<544xi32, #tpu.memory_space<vmem>>) target_semaphore(%run_scoped3A : memref<!tpu.dma_semaphore, #tpu.memory_space<semaphore_mem>>)
      %dma_wait3A = arith.constant 8160 : i32
      %dma_wait3A_105 = tpu.memref_slice %arg7[%dma_wait3A] : memref<8704xi32, #tpu.memory_space<vmem>> -> memref<544xi32, #tpu.memory_space<vmem>>
      %dma_wait3A_106 = tpu.memref_slice %arg10[%add3A_90] : memref<139264xi32, #tpu.memory_space<vmem_shared>> -> memref<544xi32, #tpu.memory_space<vmem_shared>>
      %dma_wait3A_107 = arith.constant 8160 : i32
      %dma_wait3A_108 = tpu.memref_slice %arg7[%dma_wait3A_107] : memref<8704xi32, #tpu.memory_space<vmem>> -> memref<544xi32, #tpu.memory_space<vmem>>
      %dma_wait3A_109 = tpu.memref_slice %arg10[%add3A_90] : memref<139264xi32, #tpu.memory_space<vmem_shared>> -> memref<544xi32, #tpu.memory_space<vmem_shared>>
      tpu.wait_dma2 semaphore(%run_scoped3A : memref<!tpu.dma_semaphore, #tpu.memory_space<semaphore_mem>>) src(%dma_wait3A_109 : memref<544xi32, #tpu.memory_space<vmem_shared>>) dst(%dma_wait3A_108 : memref<544xi32, #tpu.memory_space<vmem>>)
      tpu.yield
    }) : () -> ()
    %add3A_91 = arith.constant 130560 : i32
    %add3A_92 = arith.addi %add3A_91, %mul3A_29 : i32
    "tpu.region"() ({
      %run_scoped3A = tpu.sem_alloc : memref<!tpu.dma_semaphore, #tpu.memory_space<semaphore_mem>>
      %dma_start3A = arith.constant 8160 : i32
      %dma_start3A_100 = tpu.memref_slice %arg8[%dma_start3A] : memref<8704xi32, #tpu.memory_space<vmem>> -> memref<544xi32, #tpu.memory_space<vmem>>
      %dma_start3A_101 = tpu.memref_slice %arg11[%add3A_92] : memref<139264xi32, #tpu.memory_space<vmem_shared>> -> memref<544xi32, #tpu.memory_space<vmem_shared>>
      %dma_start3A_102 = arith.constant 8160 : i32
      %dma_start3A_103 = tpu.memref_slice %arg8[%dma_start3A_102] : memref<8704xi32, #tpu.memory_space<vmem>> -> memref<544xi32, #tpu.memory_space<vmem>>
      %dma_start3A_104 = tpu.memref_slice %arg11[%add3A_92] : memref<139264xi32, #tpu.memory_space<vmem_shared>> -> memref<544xi32, #tpu.memory_space<vmem_shared>>
      tpu.enqueue_dma source(%dma_start3A_104 : memref<544xi32, #tpu.memory_space<vmem_shared>>) target(%dma_start3A_103 : memref<544xi32, #tpu.memory_space<vmem>>) target_semaphore(%run_scoped3A : memref<!tpu.dma_semaphore, #tpu.memory_space<semaphore_mem>>)
      %dma_wait3A = arith.constant 8160 : i32
      %dma_wait3A_105 = tpu.memref_slice %arg8[%dma_wait3A] : memref<8704xi32, #tpu.memory_space<vmem>> -> memref<544xi32, #tpu.memory_space<vmem>>
      %dma_wait3A_106 = tpu.memref_slice %arg11[%add3A_92] : memref<139264xi32, #tpu.memory_space<vmem_shared>> -> memref<544xi32, #tpu.memory_space<vmem_shared>>
      %dma_wait3A_107 = arith.constant 8160 : i32
      %dma_wait3A_108 = tpu.memref_slice %arg8[%dma_wait3A_107] : memref<8704xi32, #tpu.memory_space<vmem>> -> memref<544xi32, #tpu.memory_space<vmem>>
      %dma_wait3A_109 = tpu.memref_slice %arg11[%add3A_92] : memref<139264xi32, #tpu.memory_space<vmem_shared>> -> memref<544xi32, #tpu.memory_space<vmem_shared>>
      tpu.wait_dma2 semaphore(%run_scoped3A : memref<!tpu.dma_semaphore, #tpu.memory_space<semaphore_mem>>) src(%dma_wait3A_109 : memref<544xi32, #tpu.memory_space<vmem_shared>>) dst(%dma_wait3A_108 : memref<544xi32, #tpu.memory_space<vmem>>)
      tpu.yield
    }) : () -> ()
    %scan3A_93 = arith.constant 0 : i32
    %scan3A_94 = arith.constant 0 : i32
    %scan3A_95 = arith.constant 34 : i32
    %scan3A_96 = arith.addi %scan3A_94, %scan3A_95 : i32
    %scan3A_97 = arith.constant 1 : i32
    %scan3A_98 = scf.for %scan3A_100 = %scan3A_94 to %scan3A_96 step %scan3A_97 iter_args(%scan3A_101 = %scan3A_93) -> (i32)  : i32 {
      %broadcast_in_dim3A = arith.constant 2147483647 : i32
      %broadcast_in_dim3A_102 = vector.broadcast %broadcast_in_dim3A : i32 to vector<16xi32>
      %broadcast_in_dim3A_103 = arith.constant -1 : i32
      %broadcast_in_dim3A_104 = vector.broadcast %broadcast_in_dim3A_103 : i32 to vector<16xi32>
      %mul3A_105 = arith.constant 16 : i32
      %mul3A_106 = arith.muli %scan3A_100, %mul3A_105 : i32
      %add3A_107 = arith.constant 0 : i32
      %add3A_108 = arith.addi %add3A_107, %mul3A_106 : i32
      %get3A = arith.index_cast %add3A_108 : i32 to index
      %get3A_109 = tpu.vector_load %arg7[%get3A] {strides = array<i32>} : memref<8704xi32, #tpu.memory_space<vmem>>, vector<16xi32>,
      %min3A = arith.minsi %broadcast_in_dim3A_102, %get3A_109 : vector<16xi32>
      %mul3A_110 = arith.constant 16 : i32
      %mul3A_111 = arith.muli %scan3A_100, %mul3A_110 : i32
      %add3A_112 = arith.constant 0 : i32
      %add3A_113 = arith.addi %add3A_112, %mul3A_111 : i32
      %get3A_114 = arith.index_cast %add3A_113 : i32 to index
      %get3A_115 = tpu.vector_load %arg8[%get3A_114] {strides = array<i32>} : memref<8704xi32, #tpu.memory_space<vmem>>, vector<16xi32>,
      %max3A = arith.maxsi %broadcast_in_dim3A_104, %get3A_115 : vector<16xi32>
      %mul3A_116 = arith.constant 16 : i32
      %mul3A_117 = arith.muli %scan3A_100, %mul3A_116 : i32
      %add3A_118 = arith.constant 544 : i32
      %add3A_119 = arith.addi %add3A_118, %mul3A_117 : i32
      %get3A_120 = arith.index_cast %add3A_119 : i32 to index
      %get3A_121 = tpu.vector_load %arg7[%get3A_120] {strides = array<i32>} : memref<8704xi32, #tpu.memory_space<vmem>>, vector<16xi32>,
      %min3A_122 = arith.minsi %min3A, %get3A_121 : vector<16xi32>
      %mul3A_123 = arith.constant 16 : i32
      %mul3A_124 = arith.muli %scan3A_100, %mul3A_123 : i32
      %add3A_125 = arith.constant 544 : i32
      %add3A_126 = arith.addi %add3A_125, %mul3A_124 : i32
      %get3A_127 = arith.index_cast %add3A_126 : i32 to index
      %get3A_128 = tpu.vector_load %arg8[%get3A_127] {strides = array<i32>} : memref<8704xi32, #tpu.memory_space<vmem>>, vector<16xi32>,
      %max3A_129 = arith.maxsi %max3A, %get3A_128 : vector<16xi32>
      %mul3A_130 = arith.constant 16 : i32
      %mul3A_131 = arith.muli %scan3A_100, %mul3A_130 : i32
      %add3A_132 = arith.constant 1088 : i32
      %add3A_133 = arith.addi %add3A_132, %mul3A_131 : i32
      %get3A_134 = arith.index_cast %add3A_133 : i32 to index
      %get3A_135 = tpu.vector_load %arg7[%get3A_134] {strides = array<i32>} : memref<8704xi32, #tpu.memory_space<vmem>>, vector<16xi32>,
      %min3A_136 = arith.minsi %min3A_122, %get3A_135 : vector<16xi32>
      %mul3A_137 = arith.constant 16 : i32
      %mul3A_138 = arith.muli %scan3A_100, %mul3A_137 : i32
      %add3A_139 = arith.constant 1088 : i32
      %add3A_140 = arith.addi %add3A_139, %mul3A_138 : i32
      %get3A_141 = arith.index_cast %add3A_140 : i32 to index
      %get3A_142 = tpu.vector_load %arg8[%get3A_141] {strides = array<i32>} : memref<8704xi32, #tpu.memory_space<vmem>>, vector<16xi32>,
      %max3A_143 = arith.maxsi %max3A_129, %get3A_142 : vector<16xi32>
      %mul3A_144 = arith.constant 16 : i32
      %mul3A_145 = arith.muli %scan3A_100, %mul3A_144 : i32
      %add3A_146 = arith.constant 1632 : i32
      %add3A_147 = arith.addi %add3A_146, %mul3A_145 : i32
      %get3A_148 = arith.index_cast %add3A_147 : i32 to index
      %get3A_149 = tpu.vector_load %arg7[%get3A_148] {strides = array<i32>} : memref<8704xi32, #tpu.memory_space<vmem>>, vector<16xi32>,
      %min3A_150 = arith.minsi %min3A_136, %get3A_149 : vector<16xi32>
      %mul3A_151 = arith.constant 16 : i32
      %mul3A_152 = arith.muli %scan3A_100, %mul3A_151 : i32
      %add3A_153 = arith.constant 1632 : i32
      %add3A_154 = arith.addi %add3A_153, %mul3A_152 : i32
      %get3A_155 = arith.index_cast %add3A_154 : i32 to index
      %get3A_156 = tpu.vector_load %arg8[%get3A_155] {strides = array<i32>} : memref<8704xi32, #tpu.memory_space<vmem>>, vector<16xi32>,
      %max3A_157 = arith.maxsi %max3A_143, %get3A_156 : vector<16xi32>
      %mul3A_158 = arith.constant 16 : i32
      %mul3A_159 = arith.muli %scan3A_100, %mul3A_158 : i32
      %add3A_160 = arith.constant 2176 : i32
      %add3A_161 = arith.addi %add3A_160, %mul3A_159 : i32
      %get3A_162 = arith.index_cast %add3A_161 : i32 to index
      %get3A_163 = tpu.vector_load %arg7[%get3A_162] {strides = array<i32>} : memref<8704xi32, #tpu.memory_space<vmem>>, vector<16xi32>,
      %min3A_164 = arith.minsi %min3A_150, %get3A_163 : vector<16xi32>
      %mul3A_165 = arith.constant 16 : i32
      %mul3A_166 = arith.muli %scan3A_100, %mul3A_165 : i32
      %add3A_167 = arith.constant 2176 : i32
      %add3A_168 = arith.addi %add3A_167, %mul3A_166 : i32
      %get3A_169 = arith.index_cast %add3A_168 : i32 to index
      %get3A_170 = tpu.vector_load %arg8[%get3A_169] {strides = array<i32>} : memref<8704xi32, #tpu.memory_space<vmem>>, vector<16xi32>,
      %max3A_171 = arith.maxsi %max3A_157, %get3A_170 : vector<16xi32>
      %mul3A_172 = arith.constant 16 : i32
      %mul3A_173 = arith.muli %scan3A_100, %mul3A_172 : i32
      %add3A_174 = arith.constant 2720 : i32
      %add3A_175 = arith.addi %add3A_174, %mul3A_173 : i32
      %get3A_176 = arith.index_cast %add3A_175 : i32 to index
      %get3A_177 = tpu.vector_load %arg7[%get3A_176] {strides = array<i32>} : memref<8704xi32, #tpu.memory_space<vmem>>, vector<16xi32>,
      %min3A_178 = arith.minsi %min3A_164, %get3A_177 : vector<16xi32>
      %mul3A_179 = arith.constant 16 : i32
      %mul3A_180 = arith.muli %scan3A_100, %mul3A_179 : i32
      %add3A_181 = arith.constant 2720 : i32
      %add3A_182 = arith.addi %add3A_181, %mul3A_180 : i32
      %get3A_183 = arith.index_cast %add3A_182 : i32 to index
      %get3A_184 = tpu.vector_load %arg8[%get3A_183] {strides = array<i32>} : memref<8704xi32, #tpu.memory_space<vmem>>, vector<16xi32>,
      %max3A_185 = arith.maxsi %max3A_171, %get3A_184 : vector<16xi32>
      %mul3A_186 = arith.constant 16 : i32
      %mul3A_187 = arith.muli %scan3A_100, %mul3A_186 : i32
      %add3A_188 = arith.constant 3264 : i32
      %add3A_189 = arith.addi %add3A_188, %mul3A_187 : i32
      %get3A_190 = arith.index_cast %add3A_189 : i32 to index
      %get3A_191 = tpu.vector_load %arg7[%get3A_190] {strides = array<i32>} : memref<8704xi32, #tpu.memory_space<vmem>>, vector<16xi32>,
      %min3A_192 = arith.minsi %min3A_178, %get3A_191 : vector<16xi32>
      %mul3A_193 = arith.constant 16 : i32
      %mul3A_194 = arith.muli %scan3A_100, %mul3A_193 : i32
      %add3A_195 = arith.constant 3264 : i32
      %add3A_196 = arith.addi %add3A_195, %mul3A_194 : i32
      %get3A_197 = arith.index_cast %add3A_196 : i32 to index
      %get3A_198 = tpu.vector_load %arg8[%get3A_197] {strides = array<i32>} : memref<8704xi32, #tpu.memory_space<vmem>>, vector<16xi32>,
      %max3A_199 = arith.maxsi %max3A_185, %get3A_198 : vector<16xi32>
      %mul3A_200 = arith.constant 16 : i32
      %mul3A_201 = arith.muli %scan3A_100, %mul3A_200 : i32
      %add3A_202 = arith.constant 3808 : i32
      %add3A_203 = arith.addi %add3A_202, %mul3A_201 : i32
      %get3A_204 = arith.index_cast %add3A_203 : i32 to index
      %get3A_205 = tpu.vector_load %arg7[%get3A_204] {strides = array<i32>} : memref<8704xi32, #tpu.memory_space<vmem>>, vector<16xi32>,
      %min3A_206 = arith.minsi %min3A_192, %get3A_205 : vector<16xi32>
      %mul3A_207 = arith.constant 16 : i32
      %mul3A_208 = arith.muli %scan3A_100, %mul3A_207 : i32
      %add3A_209 = arith.constant 3808 : i32
      %add3A_210 = arith.addi %add3A_209, %mul3A_208 : i32
      %get3A_211 = arith.index_cast %add3A_210 : i32 to index
      %get3A_212 = tpu.vector_load %arg8[%get3A_211] {strides = array<i32>} : memref<8704xi32, #tpu.memory_space<vmem>>, vector<16xi32>,
      %max3A_213 = arith.maxsi %max3A_199, %get3A_212 : vector<16xi32>
      %mul3A_214 = arith.constant 16 : i32
      %mul3A_215 = arith.muli %scan3A_100, %mul3A_214 : i32
      %add3A_216 = arith.constant 4352 : i32
      %add3A_217 = arith.addi %add3A_216, %mul3A_215 : i32
      %get3A_218 = arith.index_cast %add3A_217 : i32 to index
      %get3A_219 = tpu.vector_load %arg7[%get3A_218] {strides = array<i32>} : memref<8704xi32, #tpu.memory_space<vmem>>, vector<16xi32>,
      %min3A_220 = arith.minsi %min3A_206, %get3A_219 : vector<16xi32>
      %mul3A_221 = arith.constant 16 : i32
      %mul3A_222 = arith.muli %scan3A_100, %mul3A_221 : i32
      %add3A_223 = arith.constant 4352 : i32
      %add3A_224 = arith.addi %add3A_223, %mul3A_222 : i32
      %get3A_225 = arith.index_cast %add3A_224 : i32 to index
      %get3A_226 = tpu.vector_load %arg8[%get3A_225] {strides = array<i32>} : memref<8704xi32, #tpu.memory_space<vmem>>, vector<16xi32>,
      %max3A_227 = arith.maxsi %max3A_213, %get3A_226 : vector<16xi32>
      %mul3A_228 = arith.constant 16 : i32
      %mul3A_229 = arith.muli %scan3A_100, %mul3A_228 : i32
      %add3A_230 = arith.constant 4896 : i32
      %add3A_231 = arith.addi %add3A_230, %mul3A_229 : i32
      %get3A_232 = arith.index_cast %add3A_231 : i32 to index
      %get3A_233 = tpu.vector_load %arg7[%get3A_232] {strides = array<i32>} : memref<8704xi32, #tpu.memory_space<vmem>>, vector<16xi32>,
      %min3A_234 = arith.minsi %min3A_220, %get3A_233 : vector<16xi32>
      %mul3A_235 = arith.constant 16 : i32
      %mul3A_236 = arith.muli %scan3A_100, %mul3A_235 : i32
      %add3A_237 = arith.constant 4896 : i32
      %add3A_238 = arith.addi %add3A_237, %mul3A_236 : i32
      %get3A_239 = arith.index_cast %add3A_238 : i32 to index
      %get3A_240 = tpu.vector_load %arg8[%get3A_239] {strides = array<i32>} : memref<8704xi32, #tpu.memory_space<vmem>>, vector<16xi32>,
      %max3A_241 = arith.maxsi %max3A_227, %get3A_240 : vector<16xi32>
      %mul3A_242 = arith.constant 16 : i32
      %mul3A_243 = arith.muli %scan3A_100, %mul3A_242 : i32
      %add3A_244 = arith.constant 5440 : i32
      %add3A_245 = arith.addi %add3A_244, %mul3A_243 : i32
      %get3A_246 = arith.index_cast %add3A_245 : i32 to index
      %get3A_247 = tpu.vector_load %arg7[%get3A_246] {strides = array<i32>} : memref<8704xi32, #tpu.memory_space<vmem>>, vector<16xi32>,
      %min3A_248 = arith.minsi %min3A_234, %get3A_247 : vector<16xi32>
      %mul3A_249 = arith.constant 16 : i32
      %mul3A_250 = arith.muli %scan3A_100, %mul3A_249 : i32
      %add3A_251 = arith.constant 5440 : i32
      %add3A_252 = arith.addi %add3A_251, %mul3A_250 : i32
      %get3A_253 = arith.index_cast %add3A_252 : i32 to index
      %get3A_254 = tpu.vector_load %arg8[%get3A_253] {strides = array<i32>} : memref<8704xi32, #tpu.memory_space<vmem>>, vector<16xi32>,
      %max3A_255 = arith.maxsi %max3A_241, %get3A_254 : vector<16xi32>
      %mul3A_256 = arith.constant 16 : i32
      %mul3A_257 = arith.muli %scan3A_100, %mul3A_256 : i32
      %add3A_258 = arith.constant 5984 : i32
      %add3A_259 = arith.addi %add3A_258, %mul3A_257 : i32
      %get3A_260 = arith.index_cast %add3A_259 : i32 to index
      %get3A_261 = tpu.vector_load %arg7[%get3A_260] {strides = array<i32>} : memref<8704xi32, #tpu.memory_space<vmem>>, vector<16xi32>,
      %min3A_262 = arith.minsi %min3A_248, %get3A_261 : vector<16xi32>
      %mul3A_263 = arith.constant 16 : i32
      %mul3A_264 = arith.muli %scan3A_100, %mul3A_263 : i32
      %add3A_265 = arith.constant 5984 : i32
      %add3A_266 = arith.addi %add3A_265, %mul3A_264 : i32
      %get3A_267 = arith.index_cast %add3A_266 : i32 to index
      %get3A_268 = tpu.vector_load %arg8[%get3A_267] {strides = array<i32>} : memref<8704xi32, #tpu.memory_space<vmem>>, vector<16xi32>,
      %max3A_269 = arith.maxsi %max3A_255, %get3A_268 : vector<16xi32>
      %mul3A_270 = arith.constant 16 : i32
      %mul3A_271 = arith.muli %scan3A_100, %mul3A_270 : i32
      %add3A_272 = arith.constant 6528 : i32
      %add3A_273 = arith.addi %add3A_272, %mul3A_271 : i32
      %get3A_274 = arith.index_cast %add3A_273 : i32 to index
      %get3A_275 = tpu.vector_load %arg7[%get3A_274] {strides = array<i32>} : memref<8704xi32, #tpu.memory_space<vmem>>, vector<16xi32>,
      %min3A_276 = arith.minsi %min3A_262, %get3A_275 : vector<16xi32>
      %mul3A_277 = arith.constant 16 : i32
      %mul3A_278 = arith.muli %scan3A_100, %mul3A_277 : i32
      %add3A_279 = arith.constant 6528 : i32
      %add3A_280 = arith.addi %add3A_279, %mul3A_278 : i32
      %get3A_281 = arith.index_cast %add3A_280 : i32 to index
      %get3A_282 = tpu.vector_load %arg8[%get3A_281] {strides = array<i32>} : memref<8704xi32, #tpu.memory_space<vmem>>, vector<16xi32>,
      %max3A_283 = arith.maxsi %max3A_269, %get3A_282 : vector<16xi32>
      %mul3A_284 = arith.constant 16 : i32
      %mul3A_285 = arith.muli %scan3A_100, %mul3A_284 : i32
      %add3A_286 = arith.constant 7072 : i32
      %add3A_287 = arith.addi %add3A_286, %mul3A_285 : i32
      %get3A_288 = arith.index_cast %add3A_287 : i32 to index
      %get3A_289 = tpu.vector_load %arg7[%get3A_288] {strides = array<i32>} : memref<8704xi32, #tpu.memory_space<vmem>>, vector<16xi32>,
      %min3A_290 = arith.minsi %min3A_276, %get3A_289 : vector<16xi32>
      %mul3A_291 = arith.constant 16 : i32
      %mul3A_292 = arith.muli %scan3A_100, %mul3A_291 : i32
      %add3A_293 = arith.constant 7072 : i32
      %add3A_294 = arith.addi %add3A_293, %mul3A_292 : i32
      %get3A_295 = arith.index_cast %add3A_294 : i32 to index
      %get3A_296 = tpu.vector_load %arg8[%get3A_295] {strides = array<i32>} : memref<8704xi32, #tpu.memory_space<vmem>>, vector<16xi32>,
      %max3A_297 = arith.maxsi %max3A_283, %get3A_296 : vector<16xi32>
      %mul3A_298 = arith.constant 16 : i32
      %mul3A_299 = arith.muli %scan3A_100, %mul3A_298 : i32
      %add3A_300 = arith.constant 7616 : i32
      %add3A_301 = arith.addi %add3A_300, %mul3A_299 : i32
      %get3A_302 = arith.index_cast %add3A_301 : i32 to index
      %get3A_303 = tpu.vector_load %arg7[%get3A_302] {strides = array<i32>} : memref<8704xi32, #tpu.memory_space<vmem>>, vector<16xi32>,
      %min3A_304 = arith.minsi %min3A_290, %get3A_303 : vector<16xi32>
      %mul3A_305 = arith.constant 16 : i32
      %mul3A_306 = arith.muli %scan3A_100, %mul3A_305 : i32
      %add3A_307 = arith.constant 7616 : i32
      %add3A_308 = arith.addi %add3A_307, %mul3A_306 : i32
      %get3A_309 = arith.index_cast %add3A_308 : i32 to index
      %get3A_310 = tpu.vector_load %arg8[%get3A_309] {strides = array<i32>} : memref<8704xi32, #tpu.memory_space<vmem>>, vector<16xi32>,
      %max3A_311 = arith.maxsi %max3A_297, %get3A_310 : vector<16xi32>
      %mul3A_312 = arith.constant 16 : i32
      %mul3A_313 = arith.muli %scan3A_100, %mul3A_312 : i32
      %add3A_314 = arith.constant 8160 : i32
      %add3A_315 = arith.addi %add3A_314, %mul3A_313 : i32
      %get3A_316 = arith.index_cast %add3A_315 : i32 to index
      %get3A_317 = tpu.vector_load %arg7[%get3A_316] {strides = array<i32>} : memref<8704xi32, #tpu.memory_space<vmem>>, vector<16xi32>,
      %min3A_318 = arith.minsi %min3A_304, %get3A_317 : vector<16xi32>
      %mul3A_319 = arith.constant 16 : i32
      %mul3A_320 = arith.muli %scan3A_100, %mul3A_319 : i32
      %add3A_321 = arith.constant 8160 : i32
      %add3A_322 = arith.addi %add3A_321, %mul3A_320 : i32
      %get3A_323 = arith.index_cast %add3A_322 : i32 to index
      %get3A_324 = tpu.vector_load %arg8[%get3A_323] {strides = array<i32>} : memref<8704xi32, #tpu.memory_space<vmem>>, vector<16xi32>,
      %max3A_325 = arith.maxsi %max3A_311, %get3A_324 : vector<16xi32>
      %mul3A_326 = arith.constant 16 : i32
      %mul3A_327 = arith.muli %scan3A_100, %mul3A_326 : i32
      %add3A_328 = arith.addi %mul3A_29, %mul3A_327 : i32
      %add3A_329 = vector.broadcast %add3A_328 : i32 to vector<16xi32>
      %add3A_330 = arith.addi %add3A_329, %iota3A : vector<16xi32>
      %eq3A_331 = arith.constant 2147483647 : i32
      %eq3A_332 = vector.broadcast %eq3A_331 : i32 to vector<16xi32>
      %eq3A_333 = arith.cmpi eq, %min3A_318, %eq3A_332 : vector<16xi32>
      %sub3A = arith.subi %max3A_325, %min3A_318 : vector<16xi32>
      %add3A_334 = arith.constant 1 : i32
      %add3A_335 = vector.broadcast %add3A_334 : i32 to vector<16xi32>
      %add3A_336 = arith.addi %sub3A, %add3A_335 : vector<16xi32>
      %max3A_337 = arith.constant 1 : i32
      %max3A_338 = vector.broadcast %max3A_337 : i32 to vector<16xi32>
      %max3A_339 = arith.maxsi %add3A_336, %max3A_338 : vector<16xi32>
      %mul3A_340 = arith.constant -1640531527 : i32
      %mul3A_341 = vector.broadcast %mul3A_340 : i32 to vector<16xi32>
      %mul3A_342 = arith.muli %add3A_330, %mul3A_341 : vector<16xi32>
      %xor3A = arith.xori %mul3A_342, %min3A_318 : vector<16xi32>
      %shift_right_logical3A = arith.constant 16 : i32
      %shift_right_logical3A_343 = vector.broadcast %shift_right_logical3A : i32 to vector<16xi32>
      %shift_right_logical3A_344 = arith.shrui %xor3A, %shift_right_logical3A_343 : vector<16xi32>
      %xor3A_345 = arith.xori %xor3A, %shift_right_logical3A_344 : vector<16xi32>
      %mul3A_346 = arith.constant -2048144789 : i32
      %mul3A_347 = vector.broadcast %mul3A_346 : i32 to vector<16xi32>
      %mul3A_348 = arith.muli %xor3A_345, %mul3A_347 : vector<16xi32>
      %shift_right_logical3A_349 = arith.constant 13 : i32
      %shift_right_logical3A_350 = vector.broadcast %shift_right_logical3A_349 : i32 to vector<16xi32>
      %shift_right_logical3A_351 = arith.shrui %mul3A_348, %shift_right_logical3A_350 : vector<16xi32>
      %xor3A_352 = arith.xori %mul3A_348, %shift_right_logical3A_351 : vector<16xi32>
      %mul3A_353 = arith.constant -1028477387 : i32
      %mul3A_354 = vector.broadcast %mul3A_353 : i32 to vector<16xi32>
      %mul3A_355 = arith.muli %xor3A_352, %mul3A_354 : vector<16xi32>
      %shift_right_logical3A_356 = arith.constant 16 : i32
      %shift_right_logical3A_357 = vector.broadcast %shift_right_logical3A_356 : i32 to vector<16xi32>
      %shift_right_logical3A_358 = arith.shrui %mul3A_355, %shift_right_logical3A_357 : vector<16xi32>
      %xor3A_359 = arith.xori %mul3A_355, %shift_right_logical3A_358 : vector<16xi32>
      %and3A_360 = arith.constant 2147483647 : i32
      %and3A_361 = vector.broadcast %and3A_360 : i32 to vector<16xi32>
      %and3A_362 = arith.andi %xor3A_359, %and3A_361 : vector<16xi32>
      %rem3A = arith.remsi %and3A_362, %max3A_339 : vector<16xi32>
      %add3A_363 = arith.addi %min3A_318, %rem3A : vector<16xi32>
      %jit3A_364 = arith.constant 2147483647 : i32
      %broadcast_in_dim3A_365 = vector.broadcast %jit3A_364 : i32 to vector<16xi32>
      %select_n3A_366 = arith.select %eq3A_333, %broadcast_in_dim3A_365, %add3A_363 : vector<16xi1>, vector<16xi32>
      %mul3A_367 = arith.constant 16 : i32
      %mul3A_368 = arith.muli %scan3A_100, %mul3A_367 : i32
      %swap3A = arith.index_cast %mul3A_368 : i32 to index
      %swap3A_369 = tpu.vector_load %arg9[%swap3A] {strides = array<i32>} : memref<544xi32, #tpu.memory_space<vmem>>, vector<16xi32>,
      tpu.vector_store %arg9[%swap3A], %select_n3A_366 {strides = array<i32>} : memref<544xi32, #tpu.memory_space<vmem>>, vector<16xi32>,
      %scan3A_370 = arith.constant 0 : i32
      scf.yield %scan3A_370 : i32
    }
    %scan3A_99 = arith.constant 34 : i32
    "tpu.region"() ({
      %run_scoped3A = tpu.sem_alloc : memref<!tpu.dma_semaphore, #tpu.memory_space<semaphore_mem>>
      %dma_start3A = tpu.memref_slice %arg3[%mul3A_29] : memref<8704xi32, #tpu.memory_space<hbm>> -> memref<544xi32, #tpu.memory_space<hbm>>
      %dma_start3A_100 = tpu.memref_slice %arg3[%mul3A_29] : memref<8704xi32, #tpu.memory_space<hbm>> -> memref<544xi32, #tpu.memory_space<hbm>>
      tpu.enqueue_dma source(%arg9 : memref<544xi32, #tpu.memory_space<vmem>>) target(%dma_start3A_100 : memref<544xi32, #tpu.memory_space<hbm>>) target_semaphore(%run_scoped3A : memref<!tpu.dma_semaphore, #tpu.memory_space<semaphore_mem>>)
      %dma_wait3A = tpu.memref_slice %arg3[%mul3A_29] : memref<8704xi32, #tpu.memory_space<hbm>> -> memref<544xi32, #tpu.memory_space<hbm>>
      %dma_wait3A_101 = tpu.memref_slice %arg3[%mul3A_29] : memref<8704xi32, #tpu.memory_space<hbm>> -> memref<544xi32, #tpu.memory_space<hbm>>
      tpu.wait_dma2 semaphore(%run_scoped3A : memref<!tpu.dma_semaphore, #tpu.memory_space<semaphore_mem>>) src(%arg9 : memref<544xi32, #tpu.memory_space<vmem>>) dst(%dma_wait3A_101 : memref<544xi32, #tpu.memory_space<hbm>>)
      tpu.yield
    }) : () -> ()
    return
  }
}

</mosaic_0001>

<sc_bundles>
// kernel: kernel.3.cloned.1.call-start
scs
__scs_entry_jumppad:
0x0: {  	(pc) =	sbr.rel $0x88, $3  }
0x1: {  	(tag) =	ssettag $0x0;
	lr =	simm.s32 $0x1  }
0x2: {  	[smem:$0x3FA0] =	sst lr;
	_ =	strace $0xD0000000  }
0x3: {  	_ = 	snop  }
0x4: {  	_ = 	snop  }
0x5: {  	_ = 	snop  }
0x6: {  	_ = 	snop  }
0x7: {  	_ = 	snop  }
__scs_overlays_trampoline_lowered:
0x8: {  	[smem:$0x3FAF] =	sst s0  }
0x9: {  	[smem:$0x3FB0] =	sst s1  }
0xa: {  	[smem:$0x3FB1] =	sst s2  }
0xb: {  	[smem:$0x3FB2] =	sst s3  }
0xc: {  	[smem:$0x3FB3] =	sst s4  }
0xd: {  	[smem:$0x3FB4] =	sst s5  }
0xe: {  	[smem:$0x3FB5] =	sst s6  }
0xf: {  	[smem:$0x3FB6] =	sst s7  }
0x10: {  	[smem:$0x3FB7] =	sst s8  }
0x11: {  	[smem:$0x3FB8] =	sst s9;
	s0 =	simm.s32 @!p0 $0x0  }
0x12: {  	s1 =	sld [smem:$0x3F9E];
	s0 =	simm.s32 @p0 $0x1  }
0x13: {  	[smem:$0x3FB9] =	sst s0;
	s0 =	simm.s32 @!p1 $0x0  }
0x14: {  	s2 =	sld [smem:$0x3F9D];
	s0 =	simm.s32 @p1 $0x1  }
0x15: {  	[smem:$0x3FBA] =	sst s0;
	s0 =	simm.s32 @!p2 $0x0  }
0x16: {  	s3 =	sld [smem:$0x3FDB];
	s0 =	simm.s32 @p2 $0x1  }
0x17: {  	s4 =	simm.s32 $0x1BF5;
	[smem:$0x3FBC] =	sst s0  }
0x18: {  	s0 =	sld [smem:$0x3F9F];
	_ =	swait.ge [sflag:s4], $0x0  }
0x19: {  	s7 =	sld [smem:$0x3FA0]  }
0x1a: {  	s8 =	sadd.s32 $0xFFFFE003, lr  }
0x1b: {  	s9 =	sadd.s32 $0xFFFFFEF7, lr;
	s5 =	simm.s32 $0xFFFFFFFF;
	p2 =	slt.u32 s8, $0xFFFFF086  }
0x1c: {  	p1 =	slt.u32 s9, $0xF7A;
	s5 =	simm.s32 @!p2 $0x0  }
0x1d: {  	s5 =	simm.s32 @p1 $0x1;
	p0 =	seq.s32 s7, s2  }
0x1e: {  	s7 =	smul.u32 @!p0 $0xF7A, s2;
	p2 =	seq.s32 @!p0 s5, $0x0  }
0x1f: {  	s9 =	smul.u32 $0xF7A, s1;
	s8 =	simm.s32 @!p0 $0x1BF5;
	p2 =	por !p2, p0  }
0x20: {  	[sflag:s8] =	ssyncset.s32 @!p0 $0xFFFFF086;
	s6 =	sadd.s32 @!p0 s3, s7;
	s7 =	simm.s32 @!p0 $0x108  }
0x21: {  	s3 =	sadd.s32 s3, s9;
	s6 =	sadd.s32 @!p0 $0x88, s6;
	s7 =	simm.s32 @p2 $0x1082  }
0x22: {  	[simem:s7], [sflag:s8] =	dma.local @!p0 [hbm:s6], $0xF7A  }
0x23: {  	s9 =	sor.u32 $0xD0000000, s2;
	s6 =	simm.s32 $0x108;
	_ =	swait.ge @!p0 [sflag:s8], $0x0  }
0x24: {  	s3 =	sadd.s32 $0x88, s3;
	s6 =	simm.s32 @!p1 $0x1082;
	[sflag:s4] =	ssyncset.s32 $0xFFFFF086  }
0x25: {  	[simem:s6], [sflag:s4] =	dma.local [hbm:s3], $0xF7A  }
0x26: {  	[smem:$0x3FA0] =	sst s1;
	(tag) =	ssettag s2;
	_ =	strace s9  }
0x27: {  	s1 =	sld [smem:$0x3FB0]  }
0x28: {  	s2 =	sld [smem:$0x3FB1]  }
0x29: {  	s4 =	sld [smem:$0x3FB3]  }
0x2a: {  	p0 =	seq.s32 s5, $0x0;
	s5 =	sld [smem:$0x3FB4]  }
0x2b: {  	s6 =	sld [smem:$0x3FB5]  }
0x2c: {  	s7 =	sld [smem:$0x3FB6]  }
0x2d: {  	s3 =	simm.s32 $0x108;
	s8 =	sld [smem:$0x3FB7]  }
0x2e: {  	s3 =	simm.s32 @!p0 $0x1082;
	s9 =	sld [smem:$0x3FB8]  }
0x2f: {  	lr =	sadd.s32 s0, s3;
	s0 =	sld [smem:$0x3FAF]  }
0x30: {  	s3 =	sld [smem:$0x3FB2]  }
0x31: {  	[smem:$0x3FBB] =	sst s10  }
0x32: {  	s10 =	sld [smem:$0x3FB9];
	_ =	sdelay $0x3  }
0x33: {  	p0 =	seq.s32 s10, $0x1;
	s10 =	sld [smem:$0x3FBB];
	_ =	sdelay $0x3  }
0x34: {  	[smem:$0x3FBB] =	sst s10  }
0x35: {  	s10 =	sld [smem:$0x3FBA];
	_ =	sdelay $0x3  }
0x36: {  	p1 =	seq.s32 s10, $0x1;
	s10 =	sld [smem:$0x3FBB];
	_ =	sdelay $0x3  }
0x37: {  	[smem:$0x3FBB] =	sst s10  }
0x38: {  	s10 =	sld [smem:$0x3FBC]  }
0x39: {  	_ = 	snop;
	(pc) =	sbr.ind lr, $3  }
0x3a: {  	_ = 	snop  }
0x3b: {  	_ = 	snop  }
0x3c: {  	p2 =	seq.s32 s10, $0x1;
	s10 =	sld [smem:$0x3FBB]  }
0x3d: {  	_ =	shalt  }
0x3e: {  	_ =	shalt  }
0x3f: {  	_ =	shalt  }
0x40: {  	_ =	shalt  }
0x41: {  	_ =	shalt  }
0x42: {  	_ =	shalt  }
0x43: {  	_ =	shalt  }
0x44: {  	_ =	shalt  }
0x45: {  	_ =	shalt  }
0x46: {  	_ =	shalt  }
0x47: {  	_ =	shalt  }
0x48: {  	_ =	shalt  }
0x49: {  	_ =	shalt  }
0x4a: {  	_ =	shalt  }
0x4b: {  	_ =	shalt  }
0x4c: {  	_ =	shalt  }
0x4d: {  	_ =	shalt  }
0x4e: {  	_ =	shalt  }
0x4f: {  	_ =	shalt  }
0x50: {  	_ =	shalt  }
0x51: {  	_ =	shalt  }
0x52: {  	_ =	shalt  }
0x53: {  	_ =	shalt  }
0x54: {  	_ =	shalt  }
0x55: {  	_ =	shalt  }
0x56: {  	_ =	shalt  }
0x57: {  	_ =	shalt  }
0x58: {  	_ =	shalt  }
0x59: {  	_ =	shalt  }
0x5a: {  	_ =	shalt  }
0x5b: {  	_ =	shalt  }
0x5c: {  	_ =	shalt  }
0x5d: {  	_ =	shalt  }
0x5e: {  	_ =	shalt  }
0x5f: {  	_ =	shalt  }
0x60: {  	_ =	shalt  }
0x61: {  	_ =	shalt  }
0x62: {  	_ =	shalt  }
0x63: {  	_ =	shalt  }
0x64: {  	_ =	shalt  }
0x65: {  	_ =	shalt  }
0x66: {  	_ =	shalt  }
0x67: {  	_ =	shalt  }
0x68: {  	_ =	shalt  }
0x69: {  	_ =	shalt  }
0x6a: {  	_ =	shalt  }
0x6b: {  	_ =	shalt  }
0x6c: {  	_ =	shalt  }
0x6d: {  	_ =	shalt  }
0x6e: {  	_ =	shalt  }
0x6f: {  	_ =	shalt  }
0x70: {  	_ =	shalt  }
0x71: {  	_ =	shalt  }
0x72: {  	_ =	shalt  }
0x73: {  	_ =	shalt  }
0x74: {  	_ =	shalt  }
0x75: {  	_ =	shalt  }
0x76: {  	_ =	shalt  }
0x77: {  	_ =	shalt  }
0x78: {  	_ =	shalt  }
0x79: {  	_ =	shalt  }
0x7a: {  	_ =	shalt  }
0x7b: {  	_ =	shalt  }
0x7c: {  	_ =	shalt  }
0x7d: {  	_ =	shalt  }
0x7e: {  	_ =	shalt  }
0x7f: {  	_ =	shalt  }
0x80: {  	_ =	shalt  }
0x81: {  	_ =	shalt  }
0x82: {  	_ =	shalt  }
0x83: {  	_ =	shalt  }
0x84: {  	_ =	shalt  }
0x85: {  	_ =	shalt  }
0x86: {  	_ =	shalt  }
0x87: {  	_ =	shalt  }
.Lfunc_end0:
.L_simem_size_0:
called_computation_lowered:
.L_overlay_start_0:
0x88: {  	s0 =	sld [smem:$0x3FD9]  }
0x89: {  	s1 =	sld [smem:$0x3FFE];
	_ =	sdelay $0x3  }
0x8a: {  	s0 =	sadd.s32 s1, s0  }
0x8b: {  	[smem:$0x3FC7] =	sst s0  }
0x8c: {  	_ = 	snop  }
0x8d: {  	s0 =	sld [smem:$0x3FC9];
	(tm) =	ssettm $0x1  }
0x8e: {  	s16 =	sld [smem:$0x3FFB];
	_ =	sdelay $0x3  }
0x8f: {  	_ =	strace s16  }
0x90: {  	s1 =	sld [smem:$0x3FFC];
	_ =	sdelay $0x3  }
0x91: {  	_ =	strace s1  }
0x92: {  	s1 =	sld [smem:$0x3FFD];
	_ =	sdelay $0x3  }
0x93: {  	_ =	strace s1  }
0x94: {  	_ =	strace $0x8FFFFFFF  }
0x95: {  	s17 =	sld [smem:$0x3FDB];
	_ =	sdelay $0x1  }
0x96: {  	s2 =	simm.s32 $_scs_section_size  }
0x97: {  	s3 =	simm.s32 $_size__tile_overlayer_lowered;
	s4 =	simm.s32 $_tile_overlayer_lowered  }
0x98: {  	s20 =	simm.s32 $0x1BFF;
	s19 =	sshll.u32 s4, $0x1;
	s1 =	sadd.s32 s2, s17  }
0x99: {  	s5 =	simm.s32 $0x0;
	s18 =	sshll.u32 s3, $0x1;
	s3 =	sadd.s32 s19, s1  }
0x9a: {  	[timem:s5], [sflag:s20] =	dma.local [hbm:s3], s18  }
0x9b: {  	_ =	swait.ge [sflag:s20], s18  }
0x9c: {  	s2 =	ssub.s32 $0x0, s18;
	[sflag:s20] =	ssyncset.done $0x0  }
0x9d: {  	[sflag:s20] =	ssyncadd.s32 s2;
	_ =	sdelay $0x1  }
0x9e: {  	s21 =	simm.s32 $0x1B8B  }
0x9f: {  	_ =	swait.ge [sflag:s21], $0x1  }
0xa0: {  	[sflag:s21] =	ssyncset.done $0x0  }
0xa1: {  	s23 =	simm.s32 $0x1B8E;
	s22 =	sld [smem:$0x3FFE];
	[sflag:s21] =	ssyncadd.s32 $0xFFFFFFFF  }
0xa2: {  	s24 =	simm.s32 $execute0_lowered;
	[smem:$0x3FD2] =	sst s23  }
0xa3: {  	s3 =	sshll.u32 s24, $0x1;
	_ =	strace $0x80000046;
	[dreg:$0x1] =	wrdreg $0xFFFFFFFF  }
0xa4: {  	s25 =	simm.s32 $_size_execute0_lowered;
	s1 =	sadd.s32 s1, s3;
	[dreg:$0x0] =	wrdreg $0x0  }
0xa5: {  	s3 =	sshll.u32 s25, $0x1;
	[dreg:$0x2] =	wrdreg s1  }
0xa6: {  	[dreg:$0x3] =	wrdreg s3  }
0xa7: {  	[dreg:$0x4] =	wrdreg $0xC0  }
0xa8: {  	_ =	task [dreg:s5], $0x5FFFF  }
0xa9: {  	[dreg:$0x1] =	wrdreg $0xFFFFFFFF  }
0xaa: {  	[dreg:$0x0] =	wrdreg $0x60  }
0xab: {  	[dreg:$0x2] =	wrdreg s0  }
0xac: {  	[dreg:$0x3] =	wrdreg s22  }
0xad: {  	[dreg:$0x4] =	wrdreg $0x17EC00  }
0xae: {  	[dreg:$0x5] =	wrdreg $0x1A0C00  }
0xaf: {  	[dreg:$0x6] =	wrdreg $0x9  }
0xb0: {  	_ =	task.clear_ibuf [dreg:s5], $0x7FFFF;
	_ =	strace $0x90000046  }
0xb1: {  	s26 =	simm.s32 $0x9;
	_ =	strace $0x80000048  }
0xb2: {  	_ =	swait.ge [sflag:s26], $0x1  }
0xb3: {  	[sflag:s26] =	ssyncadd.s32 $0xFFFFFFFF  }
0xb4: {  	_ =	strace $0x90000048  }
0xb5: {  	_ =	sfence  }
0xb6: {  	s28 =	sld [smem:$0x0];
	_ =	sdelay $0x1  }
0xb7: {  	s29 =	srdreg.scid  }
0xb8: {  	s30 =	sshll.u32 s29, $0xD;
	s31 =	sshrl.u32 s29, $0x2  }
0xb9: {  	s2 =	sand.u32 $0x4000, s30;
	s1 =	sand.u32 $0x1, s29;
	s0 =	sadd.s32 s31, s28  }
0xba: {  	s1 =	sor.u32 s2, s1;
	s0 =	sshll.u32 s0, $0x11  }
0xbb: {  	s0 =	sor.u32 s0, s1  }
0xbc: {  	s0 =	sadd.s32 $0x8F2B, s0  }
0xbd: {  	[sflag:s0] =	ssyncadd.remote.s32 $0x1  }
0xbe: {  	_ =	sfence.sel $0xFFFF  }
0xbf: {  	[dreg:$0x0] =	wrdreg $0xFFFFFFFF;
	(pc) =	sbr.abs _section_cstart, $3  }
0xc0: {  	[dreg:$0x1] =	wrdreg $0xFFFFFFFF  }
0xc1: {  	_ =	task.clear_ibuf [dreg:s5], $0x2FFFF;
	_ =	strace $0x9FFFFFFF  }
0xc2: {  	(tm) =	ssettm $0x7FFFFFFF  }
0xc3: {  	_ =	shalt  }
tec
execute0_lowered:
.L_overlay_start_1:
0x0: {  	(tag) =	ssettag $0x1  }
0x1: {  	s6 =	rddreg [dreg:$0x0]  }
0x2: {  	s0 =	rddreg [dreg:$0x1]  }
0x3: {  	s8 =	rddreg [dreg:$0x2];
	s13 =	stileid.u32  }
0x4: {  	s7 =	rddreg [dreg:$0x3];
	s1 =	simm.s32 $0x0;
	s3 =	smul.u32 $0x220, s13  }
0x5: {  	[smem:$0x7FF] =	sst s1;
	s2 =	smul.u32 $0x2200, s13  }
0x6: {  	s10 =	smul.u32 $0xF480, s13;
	p0 =	seq.s32 s13, $0xF;
	_ =	strace $0x80000047  }
0x7: {  	s11 =	sadd.s32 @p0 $0x1CA6E, s6;
	s12 =	simm.s32 @p0 $0x0;
	p2 =	sne.s32 @!p0 s13, $0x0  }
0x8: {  	s16 =	sshrl.u32 s3, $0x3;
	s17 =	sadd.s32 $0x2200, s3;
	s5 =	sadd.s32 s2, s8  }
0x9: {  	[tilespmem:s12], [sflag:$0x1] =	stream.linear.gather @p0 [hbm4b:s11+s12], $0xEED0, $0x38;
	[tilespmem:$0x1C2C0] =	vst v63  }
0xa: {  	s4 =	sadd.s32 s2, s7;
	s18 =	sadd.s32 $0x4400, s3;
	s2 =	simm.s32 @p0 $0x1  }
0xb: {  	s19 =	sadd.s32 $0x6600, s3;
	p1 =	por !p2, p0;
	s20 =	sadd.s32 $0x8800, s3  }
0xc: {  	s21 =	sadd.s32 $0xAA00, s3;
	s22 =	sadd.s32 $0xCC00, s3;
	p2 =	por p2, p0  }
0xd: {  	s9 =	sadd.s32 s16, s0;
	s1 =	sadd.s32 s17, s8;
	s0 =	sadd.s32 s17, s7  }
0xe: {  	s28 =	sadd.s32 s18, s8;
	s26 =	sadd.s32 s18, s7;
	_ =	swait.ge @p0 [sflag:s2], $0xEED0  }
0xf: {  	s29 =	sadd.s32 s19, s8;
	s12 =	sadd.s32 @!p1 $0xFFFFFFF0, s10;
	s25 =	sadd.s32 s19, s7  }
0x10: {  	s11 =	simm.s32 @!p1 $0x0;
	s14 =	simm.s32 @!p1 $0x1;
	[sflag:s2] =	ssyncset.done @p0 $0x0  }
0x11: {  	v0 =	vimm.s32 @p0 $0x2000;
	s30 =	sadd.s32 s20, s7;
	[sflag:s2] =	ssyncadd.s32 @p0 $0xFFFF1130;
	s2 =	sshrl.u32 @!p1 s12, $0x3  }
0x12: {  	s23 =	sadd.s32 s21, s8;
	s15 =	simm.s32 @!p2 $0x10;
	[tilespmem:$0xEED0] =	vst @p0 v0;
	s2 =	sadd.s32 @!p1 s6, s2  }
0x13: {  	[tilespmem:s11], [sflag:$0x1] =	stream.linear.gather @!p1 [hbm4b:s2+s11], $0xF490, $0x38;
	[tilespmem:$0x1C2C0] =	vst v63  }
0x14: {  	s31 =	sadd.s32 s21, s7;
	s24 =	sadd.s32 s22, s8;
	_ =	swait.ge @!p1 [sflag:s14], $0xF490  }
0x15: {  	s17 =	sadd.s32 $0x13200, s3;
	s18 =	sadd.s32 $0x15400, s3;
	[sflag:s14] =	ssyncset.done @!p1 $0x0  }
0x16: {  	s9 =	sadd.s32 $0x400, s9;
	[sflag:s14] =	ssyncadd.s32 @!p1 $0xFFFF0B70;
	s14 =	simm.s32 @!p2 $0x0  }
0x17: {  	[tilespmem:s15], [sflag:$0x1] =	stream.linear.gather @!p2 [hbm4b:s6+s14], $0xF480, $0x38;
	[tilespmem:$0x1C2C0] =	vst v63  }
0x18: {  	s2 =	sadd.s32 s20, s8;
	s6 =	simm.s32 @!p2 $0x1;
	s14 =	sadd.s32 $0xEE00, s3  }
0x19: {  	s15 =	sadd.s32 $0x11000, s3;
	_ =	swait.ge @!p2 [sflag:s6], $0xF480;
	s21 =	sadd.s32 s14, s8  }
0x1a: {  	s20 =	sadd.s32 s14, s7;
	s16 =	sadd.s32 s15, s7;
	[dreg:$0x5] =	wrdreg s9  }
0x1b: {  	s19 =	sadd.s32 s15, s8;
	s14 =	sadd.s32 s17, s8;
	[dreg:$0x14] =	wrdreg s16  }
0x1c: {  	s15 =	sadd.s32 s18, s8;
	[sflag:s6] =	ssyncset.done @!p2 $0x0;
	[dreg:$0x13] =	wrdreg s14  }
0x1d: {  	[dreg:$0x11] =	wrdreg s15;
	s16 =	sadd.s32 s18, s7;
	s18 =	sadd.s32 $0x19800, s3  }
0x1e: {  	[sflag:s6] =	ssyncadd.s32 @!p2 $0xFFFF0B80;
	s6 =	sadd.s32 s17, s7;
	[dreg:$0x10] =	wrdreg s16  }
0x1f: {  	s22 =	sadd.s32 s22, s7;
	s15 =	sadd.s32 s18, s8;
	[dreg:$0x12] =	wrdreg s6  }
0x20: {  	s17 =	sadd.s32 $0x17600, s3;
	s16 =	sadd.s32 s18, s7;
	[dreg:$0xd] =	wrdreg s15  }
0x21: {  	s11 =	simm.s32 @p1 $0x0;
	s14 =	sadd.s32 s17, s8;
	[dreg:$0xc] =	wrdreg s16  }
0x22: {  	s18 =	sadd.s32 $0x1DC00, s3;
	s6 =	sadd.s32 s17, s7;
	[dreg:$0xf] =	wrdreg s14  }
0x23: {  	s17 =	sadd.s32 $0x1BA00, s3;
	s15 =	sadd.s32 s18, s8;
	[dreg:$0xe] =	wrdreg s6  }
0x24: {  	s16 =	sadd.s32 s18, s7;
	s14 =	sadd.s32 s17, s8;
	[dreg:$0x9] =	wrdreg s15  }
0x25: {  	s6 =	sadd.s32 s17, s7;
	[dreg:$0x8] =	wrdreg s16;
	s17 =	sadd.s32 $0x1FE00, s3  }
0x26: {  	[dreg:$0xa] =	wrdreg s6;
	s6 =	sadd.s32 s3, s8;
	s8 =	sadd.s32 s17, s8  }
0x27: {  	s11 =	simm.s32 @p0 $0x0;
	[dreg:$0x7] =	wrdreg s8;
	s8 =	simm.s32 @!p1 $0xF480  }
0x28: {  	v2 =	vimm.s32 @!p2 $0xFFFFFFFF;
	v0 =	vmov s10;
	[dreg:$0xb] =	wrdreg s14;
	s18 =	sadd.s32 s17, s7;
	s8 =	simm.s32 @p1 $0xF480  }
0x29: {  	v3 =	vimm.s32 $0xFFFFFFFF;
	v1 =	vadd.s32 $0xFFFFFFFF, v0;
	[tilespmem:$0x0] =	vst @!p2 v2;
	v2 =	vimm.s32 $0x7FFFFFFF;
	s7 =	sadd.s32 s3, s7;
	[dreg:$0x6] =	wrdreg s18;
	s8 =	simm.s32 @p0 $0xEEC1  }
.LBB2_1:
0x2a: {  	s9 =	sshra.s32 s11, $0x2  }
0x2b: {  	[tilespmem:s9+$0xF4A0] =	vst v2  }
0x2c: {  	[tilespmem:s9+$0x116A0] =	vst v3  }
0x2d: {  	p0 =	seq.s32 s11, $0x8700;
	[tilespmem:s9+$0xF4B0] =	vst v2  }
.Ltmp0:
0x2e: {  	[tilespmem:s9+$0x116B0] =	vst v3;
	(pc) =	sbr.rel @!p0 .LBB2_1-.Ltmp0, $4  }
0x2f: {  	[tilespmem:s9+$0xF4C0] =	vst v2  }
0x30: {  	[tilespmem:s9+$0x116C0] =	vst v3  }
0x31: {  	[tilespmem:s9+$0xF4D0] =	vst v2  }
0x32: {  	s11 =	sadd.s32 $0x100, s11;
	[tilespmem:s9+$0x116D0] =	vst v3  }
0x33: {  	s11 =	simm.s32 $0x40  }
0x34: {  	v2 =	vmov s8;
	v3 =	vlaneseq.u32;
	s13 =	simm.s32 $0xF;
	s16 =	simm.s32 $0x2F;
	v11 =	vld [tilespmem:s11+$0x0]  }
0x35: {  	s14 =	simm.s32 $0x1F;
	s15 =	simm.s32 $0x3F;
	s17 =	simm.s32 $0x4F;
	v35 =	vimm.s32 $0x0;
	v7 =	vadd.s32 s13, v3;
	v19 =	vld [tilespmem:s11+$0xFFFFFFF0];
	v9 =	vadd.s32 s16, v3  }
0x36: {  	s12 =	simm.s32 $0x7F;
	s18 =	simm.s32 $0x20;
	v10 =	vadd.s32 s14, v3;
	v15 =	vadd.s32 s15, v3;
	v16 =	vadd.s32 s17, v3;
	s15 =	simm.s32 $0x6F;
	v12 =	vld [tilespmem:s11+$0xFFFFFFE0]  }
0x37: {  	s17 =	simm.s32 $0x10;
	v23 =	vor.u32 s18, v3;
	s18 =	simm.s32 $0x50;
	s14 =	simm.s32 $0x70;
	v6 =	vld [tilespmem:s11+$0x40];
	v29 =	vadd.s32 s12, v3;
	v25 =	vadd.s32 s15, v3  }
0x38: {  	v13 =	vld [tilespmem:s11+$0xFFFFFFD0];
	s16 =	simm.s32 $0x0;
	v20 =	vor.u32 s17, v3;
	v27 =	vor.u32 s18, v3;
	v17 =	vor.u32 s14, v3  }
0x39: {  	s10 =	simm.s32 $0x0;
	v5 =	vld [tilespmem:s11+$0x30];
	s15 =	simm.s32 $0x40;
	v33 =	vadd.s32 v1, v23;
	v26 =	vor.u32 s16, v3;
	vm4 =	vlt.u32 v23, v2  }
0x3a: {  	s18 =	simm.s32 $0x60;
	v23 =	vadd.s32 v0, v23;
	v8 =	vadd.s32 v1, v20;
	v28 =	vor.u32 s15, v3;
	v34 =	vld.idx.msk [tilespmem:v9+s10+$0x0], $0xffff  }
0x3b: {  	s17 =	simm.s32 $0x30;
	v22 =	vor.u32 s18, v3;
	vm1 =	vlt.u32 v17, v2;
	v14 =	vld.idx.msk [tilespmem:v7+s10+$0x0], $0xffff;
	v7 =	vimm.s32 $0x0  }
0x3c: {  	s18 =	simm.s32 $0x5F;
	v31 =	vor.u32 s17, v3;
	vm8 =	vlt.u32 v26, v2;
	v10 =	vld.idx.msk [tilespmem:v10+s10+$0x0], $0xffff;
	v7 =	vsel vm1, $0xFFFFFFFF, v7  }
0x3d: {  	v32 =	vadd.s32 s18, v3;
	v21 =	vld.idx.msk [tilespmem:v15+s10+$0x0], $0xffff;
	vm1 =	vlt.u32 v27, v2;
	[tilespmem:$0x1FFD0] =	vst v7;
	v7 =	vimm.s32 $0x0  }
0x3e: {  	v18 =	vadd.s32 v0, v20;
	vm3 =	vlt.u32 v20, v2;
	v7 =	vsel vm1, $0xFFFFFFFF, v7  }
0x3f: {  	v20 =	vadd.s32 v1, v17;
	v4 =	vadd.s32 v1, v28;
	vm11 =	vlt.u32 v31, v2;
	[tilespmem:$0x1FFE0] =	vst v7  }
0x40: {  	vm0 =	vlt.u32 v28, v2;
	vm5 =	vlt.u32 v22, v2;
	v24 =	vadd.s32 v1, v22;
	v7 =	vld.idx.msk [tilespmem:v16+s10+$0x0], $0xffff  }
0x41: {  	v30 =	vadd.s32 v0, v28;
	v9 =	vadd.s32 v1, v26;
	v26 =	vadd.s32 v0, v26;
	v25 =	vld.idx.msk [tilespmem:v25+s10+$0x0], $0xffff  }
0x42: {  	v15 =	vadd.s32 v1, v31;
	vm6 =	vne.s32 v19, v34;
	vm7 =	vgt.s32 v34, $0xFFFFFFFF;
	v28 =	vld.idx.msk [tilespmem:v32+s10+$0x0], $0xffff  }
0x43: {  	vm9 =	vne.s32 v12, v10;
	vm15 =	vgt.s32 v10, $0xFFFFFFFF;
	v16 =	vld [tilespmem:s11+$0x10];
	vm1 =	vgt.s32 v14, $0xFFFFFFFF  }
0x44: {  	v32 =	vadd.s32 v0, v31;
	v29 =	vld.idx.msk [tilespmem:v29+s10+$0x0], $0xffff;
	vm10 =	vne.s32 v11, v21;
	vm4 =	vmand vm4, vm6  }
0x45: {  	v31 =	vadd.s32 v0, v27;
	vm6 =	vne.s32 v13, v14;
	vm2 =	vmand vm7, vm4  }
0x46: {  	vm11 =	vmand vm11, vm10;
	vm12 =	vmand vm3, vm9;
	vm7 =	vgt.s32 v21, $0xFFFFFFFF  }
0x47: {  	vm13 =	vmand vm8, vm6;
	vm14 =	vmand vm15, vm12;
	vm3 =	vgt.s32 v28, $0xFFFFFFFF  }
0x48: {  	vm10 =	vne.s32 v5, v25;
	vm6 =	vgt.s32 v25, $0xFFFFFFFF;
	v35 =	vsel vm3, $0xFFFFFFFF, v35  }
0x49: {  	s9 =	simm.s32 $0xF4A0;
	vm9 =	vgt.s32 v29, $0xFFFFFFFF;
	vm8 =	vmand vm5, vm10;
	vm5 =	vne.s32 v16, v7;
	[tilespmem:$0x1FFF0] =	vst v35  }
0x4a: {  	s8 =	simm.s32 $0x116A0;
	vm10 =	vmand vm1, vm13;
	vm3 =	vmand vm0, vm5;
	vm5 =	vmand vm6, vm8;
	[tilespmem:v19+s9+$0x0] =	vst.idx.msk vm4, v23  }
0x4b: {  	s12 =	simm.s32 $0xFF;
	s13 =	simm.s32 $0xC0;
	vm6 =	vgt.s32 v7, $0xFFFFFFFF;
	vm0 =	vne.s32 v6, v29;
	v19 =	vld [tilespmem:s11+$0x20];
	s11 =	simm.s32 $0x0;
	v23 =	vadd.s32 v1, v27;
	[tilespmem:v34+s8+$0x0] =	vst.idx.msk vm2, v33  }
.LBB2_3:
0x4c: {  	s15 =	sadd.s32 $0xFFFFFFA0, s12;
	v34 =	vadd.s32 v0, v17;
	v17 =	vld [tilespmem:$0x1FFD0]  }
0x4d: {  	v35 =	vmov v25;
	v25 =	vadd.s32 s15, v3;
	s15 =	sadd.s32 $0xFFFFFFD0, s12  }
0x4e: {  	v27 =	vimm.s32 $0x0;
	s14 =	sadd.s32 $0xFFFFFF90, s12;
	v33 =	vld [tilespmem:s13+$0x0];
	[tilespmem:v11+s9+$0x0] =	vst.idx.msk vm11, v32;
	v11 =	vimm.s32 $0x0;
	v59 =	vmovc v30;
	s18 =	sadd.s32 $0xFFFFFFA1, s12;
	v30 =	vadd.s32 s15, v3  }
0x4f: {  	v36 =	vmovc v24;
	v27 =	vsel vm10, $0xFFFFFFFF, v27;
	v24 =	vadd.s32 s14, v3;
	s14 =	sadd.s32 $0xFFFFFFC0, s12;
	v41 =	vor.u32 s18, v3;
	s18 =	sadd.s32 $0xFFFFFFD1, s12  }
0x50: {  	v37 =	vmovc v28;
	[tilespmem:$0x1FF90] =	vst v27;
	v27 =	vimm.s32 $0x0;
	v28 =	vadd.s32 s14, v3;
	s14 =	sadd.s32 $0xFFFFFFF0, s12;
	v43 =	vor.u32 s18, v3  }
0x51: {  	v40 =	vmovc v31;
	v27 =	vsel vm5, $0xFFFFFFFF, v27;
	v31 =	vadd.s32 s14, v3;
	s14 =	sadd.s32 $0xFFFFFF81, s12;
	vm1 =	vnez.u8 v17  }
0x52: {  	[tilespmem:v13+s9+$0x0] =	vst.idx.msk vm13, v26;
	v26 =	vld [tilespmem:s13+$0xFFFFFFE0];
	v61 =	vor.u32 s14, v3;
	vm5 =	vmand vm1, vm0;
	vm0 =	vmand vm6, vm3  }
0x53: {  	s16 =	sadd.s32 $0xFFFFFFB0, s12;
	[tilespmem:v12+s9+$0x0] =	vst.idx.msk vm12, v18;
	s18 =	sadd.s32 $0xFFFFFFF1, s12;
	v11 =	vsel vm0, $0xFFFFFFFF, v11;
	v49 =	vld.idx.msk [tilespmem:v30+s10+$0x0], $0xffff;
	vm0 =	vlt.u32 v61, v2;
	v30 =	vimm.s32 $0x0  }
0x54: {  	v39 =	vmovc v29;
	v29 =	vadd.s32 s16, v3;
	[tilespmem:v10+s8+$0x0] =	vst.idx.msk vm14, v8;
	v17 =	vor.u32 s18, v3;
	v8 =	vsel vm0, $0xFFFFFFFF, v30  }
0x55: {  	vm1 =	vlt.u32 v17, v2;
	[tilespmem:$0x1FFB0] =	vst v8;
	v8 =	vimm.s32 $0x0  }
0x56: {  	v8 =	vsel vm1, $0xFFFFFFFF, v8  }
0x57: {  	[tilespmem:$0x1FFD0] =	vst v8;
	v8 =	vld [tilespmem:$0x1FFE0]  }
0x58: {  	s17 =	sadd.s32 $0xFFFFFFE0, s12  }
0x59: {  	v51 =	vld.idx.msk [tilespmem:v29+s10+$0x0], $0xffff;
	v29 =	vadd.s32 s17, v3  }
0x5a: {  	v46 =	vadd.s32 s12, v3;
	vm2 =	vmand vm9, vm5;
	_ =	sdelay $0x1  }
0x5b: {  	v44 =	vld [tilespmem:s13+$0x40];
	vm10 =	vmand vm7, vm11;
	vm11 =	vne.s32 v19, v37;
	vm1 =	vnez.u8 v8  }
0x5c: {  	v62 =	vld.idx.msk [tilespmem:v28+s10+$0x0], $0xffff;
	v28 =	vimm.s32 $0x0;
	vm13 =	vmand vm1, vm11;
	vm1 =	vlt.u32 v43, v2  }
0x5d: {  	v12 =	vmov v26;
	[tilespmem:v6+s9+$0x0] =	vst.idx.msk vm5, v34;
	v26 =	vsel vm1, $0xFFFFFFFF, v28;
	v28 =	vld.idx.msk [tilespmem:v29+s10+$0x0], $0xffff  }
0x5e: {  	v29 =	vld.idx.msk [tilespmem:v46+s10+$0x0], $0xffff  }
0x5f: {  	[tilespmem:v39+s8+$0x0] =	vst.idx.msk vm2, v20;
	v20 =	vld [tilespmem:$0x1FF90];
	_ =	sdelay $0x1  }
0x60: {  	[tilespmem:$0x1FFA0] =	vst v27;
	v27 =	vld [tilespmem:s13+$0xFFFFFFF0];
	_ =	sdelay $0x2  }
0x61: {  	v22 =	vadd.s32 v0, v22;
	vm7 =	vnez.u8 v20  }
0x62: {  	v13 =	vld [tilespmem:s13+$0xFFFFFFD0];
	[tilespmem:v5+s9+$0x0] =	vst.idx.msk vm8, v22  }
0x63: {  	v5 =	vld [tilespmem:s13+$0x30];
	s18 =	sadd.s32 $0xFFFFFFB1, s12;
	vm0 =	vlt.u32 v41, v2;
	vm1 =	vne.s32 v27, v51  }
0x64: {  	v48 =	vor.u32 s18, v3;
	v10 =	vld.idx.msk [tilespmem:v25+s10+$0x0], $0xffff;
	[tilespmem:$0x1FFC0] =	vst v11;
	v11 =	vmovc v33;
	vm11 =	vgt.s32 v51, $0xFFFFFFFF;
	vm0 =	vmand vm0, vm1  }
0x65: {  	v53 =	vld.idx.msk [tilespmem:v24+s10+$0x0], $0xffff;
	vm8 =	vlt.u32 v48, v2;
	vm2 =	vmand vm11, vm0;
	vm11 =	vne.s32 v11, v62  }
0x66: {  	s16 =	sadd.s32 $0xFFFFFFE1, s12;
	[tilespmem:v21+s8+$0x0] =	vst.idx.msk vm10, v15;
	v15 =	vld [tilespmem:$0x1FFF0];
	v21 =	vimm.s32 $0x0;
	vm11 =	vmand vm8, vm11;
	vm8 =	vgt.s32 v28, $0xFFFFFFFF  }
0x67: {  	s15 =	sadd.s32 $0xFFFFFF91, s12;
	v22 =	vor.u32 s16, v3;
	v25 =	vld.idx.msk [tilespmem:v31+s10+$0x0], $0xffff;
	[tilespmem:v14+s8+$0x0] =	vst.idx.msk vm7, v9;
	v14 =	vsel vm8, $0xFFFFFFFF, v21  }
0x68: {  	v60 =	vadd.s32 v1, v41;
	v42 =	vor.u32 s15, v3;
	s15 =	sadd.s32 $0xFFFFFFC1, s12;
	vm12 =	vlt.u32 v22, v2;
	[tilespmem:$0x1FFF0] =	vst v14;
	v14 =	vld [tilespmem:$0x1FFB0]  }
0x69: {  	v45 =	vadd.s32 v1, v42;
	v47 =	vor.u32 s15, v3;
	v18 =	vadd.s32 v0, v42;
	v9 =	vld [tilespmem:$0x1FFA0]  }
0x6a: {  	v50 =	vadd.s32 v1, v47;
	v52 =	vadd.s32 v1, v61;
	vm6 =	vlt.u32 v47, v2;
	v21 =	vld [tilespmem:$0x1FFC0]  }
0x6b: {  	v63 =	vadd.s32 v1, v17;
	v24 =	vadd.s32 v1, v22;
	vm4 =	vnez.u8 v15  }
0x6c: {  	vm9 =	vlt.u32 v42, v2;
	v32 =	vadd.s32 v0, v48;
	vm5 =	vmand vm4, vm13  }
0x6d: {  	v38 =	vld [tilespmem:s13+$0x20];
	[tilespmem:v16+s9+$0x0] =	vst.idx.msk vm3, v59;
	vm3 =	vne.s32 v13, v53;
	vm14 =	vne.s32 v5, v25;
	vm8 =	vnez.u8 v14  }
0x6e: {  	vm4 =	vne.s32 v12, v10;
	[tilespmem:v19+s9+$0x0] =	vst.idx.msk vm13, v40;
	vm10 =	vnez.u8 v9;
	vm13 =	vmand vm8, vm3  }
0x6f: {  	v16 =	vld [tilespmem:s13+$0x10];
	vm8 =	vmand vm12, vm14;
	vm12 =	vmand vm9, vm4;
	vm4 =	vnez.u8 v21  }
0x70: {  	s11 =	sadd.s32 $0x8, s11;
	v31 =	vadd.s32 v1, v48;
	v30 =	vadd.s32 v0, v47;
	v20 =	vadd.s32 v0, v41  }
0x71: {  	p0 =	slt.u32 s11, $0xF40;
	vm15 =	vgt.s32 v10, $0xFFFFFFFF;
	v6 =	vmovc v44;
	v15 =	vmov v31;
	v31 =	vadd.s32 v0, v43;
	[tilespmem:$0x1FFE0] =	vst v26  }
.Ltmp1:
0x72: {  	v8 =	vmovc v45;
	v26 =	vadd.s32 v0, v61;
	vm1 =	vgt.s32 v53, $0xFFFFFFFF;
	v19 =	vmov v38;
	[tilespmem:v37+s8+$0x0] =	vst.idx.msk vm5, v23;
	(pc) =	sbr.rel @p0 .LBB2_3-.Ltmp1, $4  }
0x73: {  	v23 =	vadd.s32 v1, v43;
	[tilespmem:v27+s9+$0x0] =	vst.idx.msk vm0, v20;
	vm0 =	vne.s32 v6, v29;
	v20 =	vmov v63  }
0x74: {  	vm7 =	vgt.s32 v62, $0xFFFFFFFF;
	v9 =	vmovc v52;
	vm3 =	vne.s32 v16, v49;
	vm9 =	vgt.s32 v29, $0xFFFFFFFF;
	[tilespmem:v35+s8+$0x0] =	vst.idx.msk vm10, v36  }
0x75: {  	v14 =	vmovc v53;
	vm3 =	vmand vm6, vm3;
	vm14 =	vmand vm15, vm12;
	vm10 =	vgt.s32 v25, $0xFFFFFFFF;
	[tilespmem:v7+s8+$0x0] =	vst.idx.msk vm4, v4;
	v7 =	vmovc v49  }
0x76: {  	s12 =	sadd.s32 $0x80, s12;
	s13 =	sadd.s32 $0x80, s13;
	[tilespmem:v51+s8+$0x0] =	vst.idx.msk vm2, v60;
	v21 =	vmovc v62;
	vm5 =	vmand vm10, vm8;
	vm10 =	vmand vm1, vm13;
	v4 =	vmovc v50;
	vm6 =	vgt.s32 v7, $0xFFFFFFFF  }
0x77: {  	_ = 	snop  }
0x78: {  	v1 =	vld [tilespmem:$0x1FFD0];
	_ =	sdelay $0x3  }
0x79: {  	[tilespmem:v11+s9+$0x0] =	vst.idx.msk vm11, v32  }
0x7a: {  	vm1 =	vnez.u8 v1;
	v1 =	vld [tilespmem:$0x1FFE0];
	_ =	sdelay $0x4  }
0x7b: {  	vm0 =	vmand vm1, vm0;
	vm1 =	vne.s32 v19, v28;
	vm2 =	vnez.u8 v1  }
0x7c: {  	vm1 =	vmand vm2, vm1  }
0x7d: {  	[tilespmem:v13+s9+$0x0] =	vst.idx.msk vm13, v26  }
0x7e: {  	[tilespmem:v12+s9+$0x0] =	vst.idx.msk vm12, v18  }
0x7f: {  	[tilespmem:v16+s9+$0x0] =	vst.idx.msk vm3, v30;
	v1 =	vadd.s32 v0, v22  }
0x80: {  	v0 =	vadd.s32 v0, v17;
	[tilespmem:v5+s9+$0x0] =	vst.idx.msk vm8, v1  }
0x81: {  	[tilespmem:v6+s9+$0x0] =	vst.idx.msk vm0, v0  }
0x82: {  	[tilespmem:v19+s9+$0x0] =	vst.idx.msk vm1, v31  }
0x83: {  	v0 =	vld [tilespmem:$0x1FFF0];
	_ =	sdelay $0x1  }
0x84: {  	vm2 =	vmand vm7, vm11  }
0x85: {  	vm4 =	vmand vm9, vm0;
	_ =	sdelay $0x1  }
0x86: {  	vm0 =	vnez.u8 v0  }
0x87: {  	vm0 =	vmand vm0, vm1  }
0x88: {  	[tilespmem:v10+s8+$0x0] =	vst.idx.msk vm14, v8;
	vm1 =	vmand vm6, vm3  }
0x89: {  	[tilespmem:v21+s8+$0x0] =	vst.idx.msk vm2, v15  }
0x8a: {  	[tilespmem:v29+s8+$0x0] =	vst.idx.msk vm4, v20  }
0x8b: {  	[tilespmem:v14+s8+$0x0] =	vst.idx.msk vm10, v9  }
0x8c: {  	[tilespmem:v25+s8+$0x0] =	vst.idx.msk vm5, v24  }
0x8d: {  	[tilespmem:v28+s8+$0x0] =	vst.idx.msk vm0, v23  }
0x8e: {  	s16 =	simm.s32 $0xF4A0;
	[tilespmem:v7+s8+$0x0] =	vst.idx.msk vm1, v4  }
0x8f: {  	[spmem:s5] =	stream.linear.scatter [tilespmem:s16], [sflag:$0x1], $0x2200, $0x38;
	[tilespmem:$0x1C2C0] =	vst v63  }
0x90: {  	s5 =	simm.s32 $0x1  }
0x91: {  	_ =	swait.ge [sflag:s5], $0x2200  }
0x92: {  	[sflag:s5] =	ssyncset.done $0x0  }
0x93: {  	s17 =	simm.s32 $0x116A0;
	[sflag:s5] =	ssyncadd.s32 $0xFFFFDE00  }
0x94: {  	[spmem:s4] =	stream.linear.scatter [tilespmem:s17], [sflag:$0x1], $0x2200, $0x38;
	[tilespmem:$0x1C2C0] =	vst v63  }
0x95: {  	_ =	swait.ge [sflag:s5], $0x2200  }
0x96: {  	[sflag:s5] =	ssyncset.done $0x0  }
0x97: {  	[sflag:s5] =	ssyncadd.s32 $0xFFFFDE00  }
0x98: {  	s18 =	simm.s32 $0x138A0;
	[bflag:$0x0] =	sbarrier.arrive $0xFFFF  }
0x99: {  	[tilespmem:s18], [sflag:$0x1] =	stream.linear.gather [spmem:s6], $0x220, $0x38;
	[tilespmem:$0x1C2C0] =	vst v63  }
0x9a: {  	_ =	swait.ge [sflag:s5], $0x220  }
0x9b: {  	[sflag:s5] =	ssyncset.done $0x0  }
0x9c: {  	s8 =	simm.s32 $0x15AA0;
	[sflag:s5] =	ssyncadd.s32 $0xFFFFFDE0  }
0x9d: {  	[tilespmem:s8], [sflag:$0x1] =	stream.linear.gather [spmem:s7], $0x220, $0x38;
	[tilespmem:$0x1C2C0] =	vst v63  }
0x9e: {  	_ =	swait.ge [sflag:s5], $0x220  }
0x9f: {  	[sflag:s5] =	ssyncset.done $0x0  }
0xa0: {  	s9 =	simm.s32 $0x13AC0;
	[sflag:s5] =	ssyncadd.s32 $0xFFFFFDE0  }
0xa1: {  	[tilespmem:s9], [sflag:$0x1] =	stream.linear.gather [spmem:s1], $0x220, $0x38;
	[tilespmem:$0x1C2C0] =	vst v63  }
0xa2: {  	_ =	swait.ge [sflag:s5], $0x220  }
0xa3: {  	[sflag:s5] =	ssyncset.done $0x0  }
0xa4: {  	s10 =	simm.s32 $0x15CC0;
	[sflag:s5] =	ssyncadd.s32 $0xFFFFFDE0  }
0xa5: {  	[tilespmem:s10], [sflag:$0x1] =	stream.linear.gather [spmem:s0], $0x220, $0x38;
	[tilespmem:$0x1C2C0] =	vst v63  }
0xa6: {  	_ =	swait.ge [sflag:s5], $0x220  }
0xa7: {  	[sflag:s5] =	ssyncset.done $0x0  }
0xa8: {  	s11 =	simm.s32 $0x13CE0;
	[sflag:s5] =	ssyncadd.s32 $0xFFFFFDE0  }
0xa9: {  	[tilespmem:s11], [sflag:$0x1] =	stream.linear.gather [spmem:s28], $0x220, $0x38;
	[tilespmem:$0x1C2C0] =	vst v63  }
0xaa: {  	_ =	swait.ge [sflag:s5], $0x220  }
0xab: {  	[sflag:s5] =	ssyncset.done $0x0  }
0xac: {  	s12 =	simm.s32 $0x15EE0;
	[sflag:s5] =	ssyncadd.s32 $0xFFFFFDE0  }
0xad: {  	[tilespmem:s12], [sflag:$0x1] =	stream.linear.gather [spmem:s26], $0x220, $0x38;
	[tilespmem:$0x1C2C0] =	vst v63  }
0xae: {  	_ =	swait.ge [sflag:s5], $0x220  }
0xaf: {  	[sflag:s5] =	ssyncset.done $0x0  }
0xb0: {  	s13 =	simm.s32 $0x13F00;
	[sflag:s5] =	ssyncadd.s32 $0xFFFFFDE0  }
0xb1: {  	[tilespmem:s13], [sflag:$0x1] =	stream.linear.gather [spmem:s29], $0x220, $0x38;
	[tilespmem:$0x1C2C0] =	vst v63  }
0xb2: {  	_ =	swait.ge [sflag:s5], $0x220  }
0xb3: {  	[sflag:s5] =	ssyncset.done $0x0  }
0xb4: {  	s14 =	simm.s32 $0x16100;
	[sflag:s5] =	ssyncadd.s32 $0xFFFFFDE0  }
0xb5: {  	[tilespmem:s14], [sflag:$0x1] =	stream.linear.gather [spmem:s25], $0x220, $0x38;
	[tilespmem:$0x1C2C0] =	vst v63  }
0xb6: {  	_ =	swait.ge [sflag:s5], $0x220  }
0xb7: {  	[sflag:s5] =	ssyncset.done $0x0  }
0xb8: {  	s15 =	simm.s32 $0x14120;
	[sflag:s5] =	ssyncadd.s32 $0xFFFFFDE0  }
0xb9: {  	[tilespmem:s15], [sflag:$0x1] =	stream.linear.gather [spmem:s2], $0x220, $0x38;
	[tilespmem:$0x1C2C0] =	vst v63  }
0xba: {  	_ =	swait.ge [sflag:s5], $0x220  }
0xbb: {  	[sflag:s5] =	ssyncset.done $0x0  }
0xbc: {  	s16 =	simm.s32 $0x16320;
	[sflag:s5] =	ssyncadd.s32 $0xFFFFFDE0  }
0xbd: {  	[tilespmem:s16], [sflag:$0x1] =	stream.linear.gather [spmem:s30], $0x220, $0x38;
	[tilespmem:$0x1C2C0] =	vst v63  }
0xbe: {  	_ =	swait.ge [sflag:s5], $0x220  }
0xbf: {  	[sflag:s5] =	ssyncset.done $0x0  }
0xc0: {  	s17 =	simm.s32 $0x14340;
	[sflag:s5] =	ssyncadd.s32 $0xFFFFFDE0  }
0xc1: {  	[tilespmem:s17], [sflag:$0x1] =	stream.linear.gather [spmem:s23], $0x220, $0x38;
	[tilespmem:$0x1C2C0] =	vst v63  }
0xc2: {  	_ =	swait.ge [sflag:s5], $0x220  }
0xc3: {  	[sflag:s5] =	ssyncset.done $0x0  }
0xc4: {  	s18 =	simm.s32 $0x16540;
	[sflag:s5] =	ssyncadd.s32 $0xFFFFFDE0  }
0xc5: {  	[tilespmem:s18], [sflag:$0x1] =	stream.linear.gather [spmem:s31], $0x220, $0x38;
	[tilespmem:$0x1C2C0] =	vst v63  }
0xc6: {  	_ =	swait.ge [sflag:s5], $0x220  }
0xc7: {  	[sflag:s5] =	ssyncset.done $0x0  }
0xc8: {  	s23 =	simm.s32 $0x14560;
	[sflag:s5] =	ssyncadd.s32 $0xFFFFFDE0  }
0xc9: {  	[tilespmem:s23], [sflag:$0x1] =	stream.linear.gather [spmem:s24], $0x220, $0x38;
	[tilespmem:$0x1C2C0] =	vst v63  }
0xca: {  	_ =	swait.ge [sflag:s5], $0x220  }
0xcb: {  	[sflag:s5] =	ssyncset.done $0x0  }
0xcc: {  	s25 =	simm.s32 $0x16760;
	[sflag:s5] =	ssyncadd.s32 $0xFFFFFDE0  }
0xcd: {  	[tilespmem:s25], [sflag:$0x1] =	stream.linear.gather [spmem:s22], $0x220, $0x38;
	[tilespmem:$0x1C2C0] =	vst v63  }
0xce: {  	_ =	swait.ge [sflag:s5], $0x220  }
0xcf: {  	[sflag:s5] =	ssyncset.done $0x0  }
0xd0: {  	s26 =	simm.s32 $0x14780;
	[sflag:s5] =	ssyncadd.s32 $0xFFFFFDE0  }
0xd1: {  	[tilespmem:s26], [sflag:$0x1] =	stream.linear.gather [spmem:s21], $0x220, $0x38;
	[tilespmem:$0x1C2C0] =	vst v63  }
0xd2: {  	_ =	swait.ge [sflag:s5], $0x220  }
0xd3: {  	[sflag:s5] =	ssyncset.done $0x0  }
0xd4: {  	s28 =	simm.s32 $0x16980;
	[sflag:s5] =	ssyncadd.s32 $0xFFFFFDE0  }
0xd5: {  	[tilespmem:s28], [sflag:$0x1] =	stream.linear.gather [spmem:s20], $0x220, $0x38;
	[tilespmem:$0x1C2C0] =	vst v63  }
0xd6: {  	_ =	swait.ge [sflag:s5], $0x220  }
0xd7: {  	[sflag:s5] =	ssyncset.done $0x0  }
0xd8: {  	s29 =	simm.s32 $0x149A0;
	[sflag:s5] =	ssyncadd.s32 $0xFFFFFDE0  }
0xd9: {  	[tilespmem:s29], [sflag:$0x1] =	stream.linear.gather [spmem:s19], $0x220, $0x38;
	[tilespmem:$0x1C2C0] =	vst v63  }
0xda: {  	_ =	swait.ge [sflag:s5], $0x220  }
0xdb: {  	[sflag:s5] =	ssyncset.done $0x0  }
0xdc: {  	s30 =	simm.s32 $0x16BA0;
	s31 =	rddreg [dreg:$0x14];
	[sflag:s5] =	ssyncadd.s32 $0xFFFFFDE0  }
0xdd: {  	[tilespmem:s30], [sflag:$0x1] =	stream.linear.gather [spmem:s31], $0x220, $0x38;
	[tilespmem:$0x1C2C0] =	vst v63  }
0xde: {  	_ =	swait.ge [sflag:s5], $0x220  }
0xdf: {  	[sflag:s5] =	ssyncset.done $0x0  }
0xe0: {  	s1 =	simm.s32 $0x14BC0;
	s2 =	rddreg [dreg:$0x13];
	[sflag:s5] =	ssyncadd.s32 $0xFFFFFDE0  }
0xe1: {  	[tilespmem:s1], [sflag:$0x1] =	stream.linear.gather [spmem:s2], $0x220, $0x38;
	[tilespmem:$0x1C2C0] =	vst v63  }
0xe2: {  	_ =	swait.ge [sflag:s5], $0x220  }
0xe3: {  	[sflag:s5] =	ssyncset.done $0x0  }
0xe4: {  	s4 =	simm.s32 $0x16DC0;
	s6 =	rddreg [dreg:$0x12];
	[sflag:s5] =	ssyncadd.s32 $0xFFFFFDE0  }
0xe5: {  	[tilespmem:s4], [sflag:$0x1] =	stream.linear.gather [spmem:s6], $0x220, $0x38;
	[tilespmem:$0x1C2C0] =	vst v63  }
0xe6: {  	_ =	swait.ge [sflag:s5], $0x220  }
0xe7: {  	[sflag:s5] =	ssyncset.done $0x0  }
0xe8: {  	s7 =	simm.s32 $0x14DE0;
	s8 =	rddreg [dreg:$0x11];
	[sflag:s5] =	ssyncadd.s32 $0xFFFFFDE0  }
0xe9: {  	[tilespmem:s7], [sflag:$0x1] =	stream.linear.gather [spmem:s8], $0x220, $0x38;
	[tilespmem:$0x1C2C0] =	vst v63  }
0xea: {  	_ =	swait.ge [sflag:s5], $0x220  }
0xeb: {  	[sflag:s5] =	ssyncset.done $0x0  }
0xec: {  	s9 =	simm.s32 $0x16FE0;
	s10 =	rddreg [dreg:$0x10];
	[sflag:s5] =	ssyncadd.s32 $0xFFFFFDE0  }
0xed: {  	[tilespmem:s9], [sflag:$0x1] =	stream.linear.gather [spmem:s10], $0x220, $0x38;
	[tilespmem:$0x1C2C0] =	vst v63  }
0xee: {  	_ =	swait.ge [sflag:s5], $0x220  }
0xef: {  	[sflag:s5] =	ssyncset.done $0x0  }
0xf0: {  	s11 =	simm.s32 $0x15000;
	s12 =	rddreg [dreg:$0xf];
	[sflag:s5] =	ssyncadd.s32 $0xFFFFFDE0  }
0xf1: {  	[tilespmem:s11], [sflag:$0x1] =	stream.linear.gather [spmem:s12], $0x220, $0x38;
	[tilespmem:$0x1C2C0] =	vst v63  }
0xf2: {  	_ =	swait.ge [sflag:s5], $0x220  }
0xf3: {  	[sflag:s5] =	ssyncset.done $0x0  }
0xf4: {  	s13 =	simm.s32 $0x17200;
	s14 =	rddreg [dreg:$0xe];
	[sflag:s5] =	ssyncadd.s32 $0xFFFFFDE0  }
0xf5: {  	[tilespmem:s13], [sflag:$0x1] =	stream.linear.gather [spmem:s14], $0x220, $0x38;
	[tilespmem:$0x1C2C0] =	vst v63  }
0xf6: {  	_ =	swait.ge [sflag:s5], $0x220  }
0xf7: {  	[sflag:s5] =	ssyncset.done $0x0  }
0xf8: {  	s15 =	simm.s32 $0x15220;
	s16 =	rddreg [dreg:$0xd];
	[sflag:s5] =	ssyncadd.s32 $0xFFFFFDE0  }
0xf9: {  	[tilespmem:s15], [sflag:$0x1] =	stream.linear.gather [spmem:s16], $0x220, $0x38;
	[tilespmem:$0x1C2C0] =	vst v63  }
0xfa: {  	_ =	swait.ge [sflag:s5], $0x220  }
0xfb: {  	[sflag:s5] =	ssyncset.done $0x0  }
0xfc: {  	s17 =	simm.s32 $0x17420;
	s18 =	rddreg [dreg:$0xc];
	[sflag:s5] =	ssyncadd.s32 $0xFFFFFDE0  }
0xfd: {  	[tilespmem:s17], [sflag:$0x1] =	stream.linear.gather [spmem:s18], $0x220, $0x38;
	[tilespmem:$0x1C2C0] =	vst v63  }
0xfe: {  	_ =	swait.ge [sflag:s5], $0x220  }
0xff: {  	[sflag:s5] =	ssyncset.done $0x0  }
0x100: {  	s19 =	simm.s32 $0x15440;
	s20 =	rddreg [dreg:$0xb];
	[sflag:s5] =	ssyncadd.s32 $0xFFFFFDE0  }
0x101: {  	[tilespmem:s19], [sflag:$0x1] =	stream.linear.gather [spmem:s20], $0x220, $0x38;
	[tilespmem:$0x1C2C0] =	vst v63  }
0x102: {  	_ =	swait.ge [sflag:s5], $0x220  }
0x103: {  	[sflag:s5] =	ssyncset.done $0x0  }
0x104: {  	s21 =	simm.s32 $0x17640;
	s22 =	rddreg [dreg:$0xa];
	[sflag:s5] =	ssyncadd.s32 $0xFFFFFDE0  }
0x105: {  	[tilespmem:s21], [sflag:$0x1] =	stream.linear.gather [spmem:s22], $0x220, $0x38;
	[tilespmem:$0x1C2C0] =	vst v63  }
0x106: {  	_ =	swait.ge [sflag:s5], $0x220  }
0x107: {  	[sflag:s5] =	ssyncset.done $0x0  }
0x108: {  	s23 =	simm.s32 $0x15660;
	s24 =	rddreg [dreg:$0x9];
	[sflag:s5] =	ssyncadd.s32 $0xFFFFFDE0  }
0x109: {  	[tilespmem:s23], [sflag:$0x1] =	stream.linear.gather [spmem:s24], $0x220, $0x38;
	[tilespmem:$0x1C2C0] =	vst v63  }
0x10a: {  	_ =	swait.ge [sflag:s5], $0x220  }
0x10b: {  	[sflag:s5] =	ssyncset.done $0x0  }
0x10c: {  	s25 =	simm.s32 $0x17860;
	s26 =	rddreg [dreg:$0x8];
	[sflag:s5] =	ssyncadd.s32 $0xFFFFFDE0  }
0x10d: {  	[tilespmem:s25], [sflag:$0x1] =	stream.linear.gather [spmem:s26], $0x220, $0x38;
	[tilespmem:$0x1C2C0] =	vst v63  }
0x10e: {  	_ =	swait.ge [sflag:s5], $0x220  }
0x10f: {  	[sflag:s5] =	ssyncset.done $0x0  }
0x110: {  	s28 =	simm.s32 $0x15880;
	s29 =	rddreg [dreg:$0x7];
	[sflag:s5] =	ssyncadd.s32 $0xFFFFFDE0  }
0x111: {  	[tilespmem:s28], [sflag:$0x1] =	stream.linear.gather [spmem:s29], $0x220, $0x38;
	[tilespmem:$0x1C2C0] =	vst v63  }
0x112: {  	_ =	swait.ge [sflag:s5], $0x220  }
0x113: {  	[sflag:s5] =	ssyncset.done $0x0  }
0x114: {  	s30 =	simm.s32 $0x17A80;
	s31 =	rddreg [dreg:$0x6];
	[sflag:s5] =	ssyncadd.s32 $0xFFFFFDE0  }
0x115: {  	[tilespmem:s30], [sflag:$0x1] =	stream.linear.gather [spmem:s31], $0x220, $0x38;
	[tilespmem:$0x1C2C0] =	vst v63  }
0x116: {  	_ =	swait.ge [sflag:s5], $0x220  }
0x117: {  	[sflag:s5] =	ssyncset.done $0x0  }
0x118: {  	s4 =	simm.s32 $0x0;
	[sflag:s5] =	ssyncadd.s32 $0xFFFFFDE0  }
0x119: {  	v0 =	vld [tilespmem:s4+$0x15AA0]  }
0x11a: {  	v1 =	vld [tilespmem:s4+$0x15CC0]  }
0x11b: {  	v2 =	vld [tilespmem:s4+$0x138A0]  }
0x11c: {  	v3 =	vld [tilespmem:s4+$0x13AC0]  }
0x11d: {  	v4 =	vld [tilespmem:s4+$0x15EE0]  }
0x11e: {  	v5 =	vld [tilespmem:s4+$0x13CE0]  }
0x11f: {  	v6 =	vld [tilespmem:s4+$0x16100]  }
0x120: {  	v7 =	vld [tilespmem:s4+$0x16320];
	vm0 =	vgt.s32 v0, v1  }
0x121: {  	v0 =	vsel vm0, v0, v1;
	v1 =	vld [tilespmem:s4+$0x13F00]  }
0x122: {  	v8 =	vld [tilespmem:s4+$0x16540];
	vm0 =	vlt.s32 v2, v3;
	vm1 =	vgt.s32 v0, v4  }
0x123: {  	v2 =	vsel vm0, v2, v3;
	v3 =	vld [tilespmem:s4+$0x14120];
	v0 =	vsel vm1, v0, v4  }
0x124: {  	vm0 =	vlt.s32 v2, v5;
	v4 =	vld [tilespmem:s4+$0x16760];
	vm1 =	vgt.s32 v0, v6  }
0x125: {  	v2 =	vsel vm0, v2, v5;
	v5 =	vld [tilespmem:s4+$0x14340];
	v0 =	vsel vm1, v0, v6  }
0x126: {  	v6 =	vld [tilespmem:s4+$0x16980];
	vm0 =	vlt.s32 v2, v1;
	vm1 =	vgt.s32 v0, v7  }
0x127: {  	v1 =	vsel vm0, v2, v1;
	v0 =	vsel vm1, v0, v7;
	v2 =	vld [tilespmem:s4+$0x14560]  }
0x128: {  	v7 =	vld [tilespmem:s4+$0x16BA0];
	vm0 =	vlt.s32 v1, v3;
	vm1 =	vgt.s32 v0, v8  }
0x129: {  	v1 =	vsel vm0, v1, v3;
	v0 =	vsel vm1, v0, v8;
	v3 =	vld [tilespmem:s4+$0x14780]  }
0x12a: {  	v8 =	vld [tilespmem:s4+$0x16DC0];
	vm0 =	vlt.s32 v1, v5;
	vm1 =	vgt.s32 v0, v4  }
0x12b: {  	v1 =	vsel vm0, v1, v5;
	v0 =	vsel vm1, v0, v4;
	v4 =	vld [tilespmem:s4+$0x149A0]  }
0x12c: {  	v5 =	vld [tilespmem:s4+$0x16FE0];
	vm0 =	vlt.s32 v1, v2;
	vm1 =	vgt.s32 v0, v6  }
0x12d: {  	v1 =	vsel vm0, v1, v2;
	v0 =	vsel vm1, v0, v6;
	v2 =	vld [tilespmem:s4+$0x14BC0]  }
0x12e: {  	v6 =	vld [tilespmem:s4+$0x17200];
	vm0 =	vlt.s32 v1, v3;
	vm1 =	vgt.s32 v0, v7  }
0x12f: {  	v1 =	vsel vm0, v1, v3;
	v0 =	vsel vm1, v0, v7;
	v3 =	vld [tilespmem:s4+$0x14DE0]  }
0x130: {  	v7 =	vld [tilespmem:s4+$0x17420];
	vm0 =	vlt.s32 v1, v4;
	vm1 =	vgt.s32 v0, v8  }
0x131: {  	v1 =	vsel vm0, v1, v4;
	v0 =	vsel vm1, v0, v8;
	v4 =	vld [tilespmem:s4+$0x15000]  }
0x132: {  	v8 =	vld [tilespmem:s4+$0x17640];
	vm0 =	vlt.s32 v1, v2;
	vm1 =	vgt.s32 v0, v5  }
0x133: {  	v1 =	vsel vm0, v1, v2;
	v0 =	vsel vm1, v0, v5;
	v2 =	vld [tilespmem:s4+$0x15220]  }
0x134: {  	v5 =	vld [tilespmem:s4+$0x17860];
	vm0 =	vlt.s32 v1, v3;
	vm1 =	vgt.s32 v0, v6  }
0x135: {  	v1 =	vsel vm0, v1, v3;
	v0 =	vsel vm1, v0, v6;
	v3 =	vld [tilespmem:s4+$0x15440]  }
0x136: {  	v6 =	vld [tilespmem:s4+$0x17A80];
	vm0 =	vlt.s32 v1, v4;
	vm1 =	vgt.s32 v0, v7  }
0x137: {  	v1 =	vsel vm0, v1, v4;
	v0 =	vsel vm1, v0, v7;
	v4 =	vld [tilespmem:s4+$0x15660]  }
0x138: {  	vm0 =	vlt.s32 v1, v2;
	vm1 =	vgt.s32 v0, v8  }
0x139: {  	v1 =	vsel vm0, v1, v2;
	v0 =	vsel vm1, v0, v8;
	v2 =	vld [tilespmem:s4+$0x15880]  }
0x13a: {  	vm0 =	vlt.s32 v1, v3;
	vm1 =	vgt.s32 v0, v5  }
0x13b: {  	v1 =	vsel vm0, v1, v3;
	v0 =	vsel vm1, v0, v5  }
0x13c: {  	vm0 =	vlt.s32 v1, v4;
	vm1 =	vgt.s32 v0, v6  }
0x13d: {  	v1 =	vsel vm0, v1, v4;
	v3 =	vsel vm1, v0, v6  }
0x13e: {  	vm0 =	vlt.s32 v1, v2;
	v4 =	vshra.s32 v3, $0x1F  }
0x13f: {  	v0 =	vsel vm0, v1, v2;
	v1 =	vor.u32 v4, v3  }
0x140: {  	v1 =	vsub.s32 v1, v0  }
0x141: {  	v2 =	vadd.s32 $0x1, v1  }
0x142: {  	vm0 =	vgt.s32 v2, $0x1  }
0x143: {  	v3 =	vnsel vm0, $0x1, v2  }
0x144: {  	vm13 =	vcmask $0xB08;
	v2 =	vmov s3;
	(v2sf) =	vpush v3, $0xE  }
0x145: {  	vm12 =	vcmask $0x3330;
	v2 =	vmul.u32 $0x9E3779B9, v2;
	(v2sf) =	vpush v3, $0xD  }
0x146: {  	vm9 =	vcmask $0x2B28;
	s5 =	simm.s32 $0x10;
	v1 =	vlaneseq.u32;
	(v2sf) =	vpush v3, $0xC  }
0x147: {  	v7 =	vld [tilespmem:s5+$0x13AC0];
	v1 =	vmul.u32 $0x9E3779B9, v1;
	v2 =	vbroadcast v2, $0x0;
	(v2sf) =	vpush v3, $0xB  }
0x148: {  	vm7 =	vcmask $0x1714;
	vm8 =	vcmask $0x2724;
	v5 =	vld [tilespmem:s5+$0x15CC0];
	(v2sf) =	vpush v3, $0xA  }
0x149: {  	vm11 =	vcmask $0x2F2C;
	v6 =	vld [tilespmem:s5+$0x138A0];
	v2 =	vadd.s32 v1, v2;
	(v2sf) =	vpush v3, $0x9  }
0x14a: {  	vm2 =	vcmask $0x704;
	v4 =	vld [tilespmem:s5+$0x15AA0];
	v2 =	vxor.u32 v2, v0;
	(v2sf) =	vpush v3, $0x8  }
0x14b: {  	vm4 =	vcmask $0x1310;
	v8 =	vshrl.u32 v2, $0x10;
	(v2sf) =	vpush v3, $0x7  }
0x14c: {  	vm5 =	vcmask $0x2320;
	v2 =	vxor.u32 v2, v8;
	(v2sf) =	vpush v3, $0x6  }
0x14d: {  	vm10 =	vcmask $0x3734;
	v9 =	vld [tilespmem:s5+$0x15EE0];
	v2 =	vmul.u32 $0x85EBCA6B, v2;
	(v2sf) =	vpush v3, $0x5  }
0x14e: {  	vm3 =	vcmask $0x300;
	vm14 =	vlt.s32 v6, v7;
	(v2sf) =	vpush v3, $0x4  }
0x14f: {  	vm0 =	vgt.s32 v4, v5;
	v8 =	vld [tilespmem:s5+$0x13CE0];
	v10 =	vshrl.u32 v2, $0xD;
	(v2sf) =	vpush v3, $0x3  }
0x150: {  	v4 =	vsel vm0, v4, v5;
	v5 =	vld [tilespmem:s5+$0x16100];
	v2 =	vxor.u32 v2, v10;
	(v2sf) =	vpush v3, $0x2  }
0x151: {  	v6 =	vsel vm14, v6, v7;
	v7 =	vld [tilespmem:s5+$0x13F00];
	v2 =	vmul.u32 $0xC2B2AE35, v2;
	(v2sf) =	vpush v3, $0x1  }
0x152: {  	vm6 =	vcmask $0xF0C;
	vm0 =	vgt.s32 v4, v9;
	v10 =	vld [tilespmem:s5+$0x16320];
	(v2sf) =	vpush v3, $0x0  }
0x153: {  	v62 =	vld [tilespmem:s5+$0x14120];
	v4 =	vsel vm0, v4, v9;
	v11 =	vshrl.u32 v2, $0x10;
	v2 =	vand.u32 $0x7FFFFFFF, v2;
	s0 =	spop (v2sf)  }
0x154: {  	v9 =	vld [tilespmem:s5+$0x16540];
	vm14 =	vlt.s32 v6, v8;
	v2 =	vxor.u32 v11, v2;
	(v2sf) =	vpush v3, $0xF;
	s1 =	spop (v2sf)  }
0x155: {  	v63 =	vld [tilespmem:s5+$0x16760];
	vm0 =	vgt.s32 v4, v5;
	v6 =	vsel vm14, v6, v8;
	(v2sf) =	vpush v2, $0xE;
	s2 =	spop (v2sf)  }
0x156: {  	v4 =	vsel vm0, v4, v5;
	vm0 =	vlt.s32 v6, v7;
	v11 =	vld [tilespmem:s5+$0x14340];
	(v2sf) =	vpush v2, $0xD;
	s6 =	spop (v2sf)  }
0x157: {  	v3 =	vld [tilespmem:s5+$0x16980];
	v5 =	vsel vm0, v6, v7;
	vm14 =	vgt.s32 v4, v10;
	(v2sf) =	vpush v2, $0xC;
	s7 =	spop (v2sf)  }
0x158: {  	v7 =	vld [tilespmem:s5+$0x14560];
	vm0 =	vlt.s32 v5, v62;
	v6 =	vsel vm14, v4, v10;
	(v2sf) =	vpush v2, $0xB;
	s8 =	spop (v2sf)  }
0x159: {  	v8 =	vld [tilespmem:s5+$0x14780];
	v10 =	vsel vm0, v5, v62;
	vm14 =	vgt.s32 v6, v9;
	(v2sf) =	vpush v2, $0xA;
	s10 =	spop (v2sf)  }
0x15a: {  	v4 =	vld [tilespmem:s5+$0x16BA0];
	v6 =	vsel vm14, v6, v9;
	vm14 =	vcmask $0x3B38;
	(v2sf) =	vpush v2, $0x9;
	s11 =	spop (v2sf)  }
0x15b: {  	v5 =	vld [tilespmem:s5+$0x16DC0];
	vm0 =	vlt.s32 v10, v11;
	vm15 =	vgt.s32 v6, v63;
	(v2sf) =	vpush v2, $0xF;
	s12 =	spop (v2sf)  }
0x15c: {  	v9 =	vld [tilespmem:s5+$0x149A0];
	v10 =	vsel vm0, v10, v11;
	v11 =	vsel vm15, v6, v63;
	(v2sf) =	vpush v2, $0x0;
	s13 =	spop (v2sf)  }
0x15d: {  	s9 =	simm.s32 $0x80;
	v6 =	vld [tilespmem:s5+$0x16FE0];
	vm15 =	vlt.s32 v10, v7;
	vm0 =	vgt.s32 v11, v3;
	(v2sf) =	vpush v2, $0x1;
	s14 =	spop (v2sf)  }
.LBB2_5:
0x15e: {  	p0 =	sne.s32 s9, $0x840;
	v7 =	vsel vm15, v10, v7;
	v3 =	vsel vm0, v11, v3;
	v10 =	vld [tilespmem:s5+$0x14BC0];
	(v2sf) =	vpush v2, $0x2;
	s19 =	spop (v2sf)  }
0x15f: {  	vm0 =	vlt.s32 v7, v8;
	vm15 =	vgt.s32 v3, v4;
	v11 =	vld [tilespmem:s5+$0x17200];
	s21 =	spop (v2sf);
	(v2sf) =	vpush v2, $0x3  }
0x160: {  	v7 =	vsel vm0, v7, v8;
	v3 =	vsel vm15, v3, v4;
	v4 =	vld [tilespmem:s5+$0x14DE0];
	s24 =	spop (v2sf);
	(v2sf) =	vpush v2, $0x4  }
0x161: {  	vm0 =	vlt.s32 v7, v9;
	vm15 =	vgt.s32 v3, v5;
	v8 =	vld [tilespmem:s5+$0x17420];
	s15 =	spop (v2sf);
	(v2sf) =	vpush v2, $0x5  }
0x162: {  	v7 =	vsel vm0, v7, v9;
	v3 =	vsel vm15, v3, v5;
	v5 =	vld [tilespmem:s5+$0x15000];
	(v2sf) =	vpush v2, $0x6  }
0x163: {  	vm0 =	vlt.s32 v7, v10;
	vm15 =	vgt.s32 v3, v6;
	v9 =	vld [tilespmem:s5+$0x17640];
	s25 =	spop (v2sf);
	(v2sf) =	vpush v2, $0x7  }
0x164: {  	v7 =	vsel vm0, v7, v10;
	v3 =	vsel vm15, v3, v6;
	v6 =	vld [tilespmem:s5+$0x15220];
	(v2sf) =	vpush v2, $0x8;
	s16 =	spop (v2sf)  }
0x165: {  	vm0 =	vlt.s32 v7, v4;
	vm15 =	vgt.s32 v3, v11;
	v2 =	vld [tilespmem:s5+$0x17860];
	s17 =	spop (v2sf)  }
0x166: {  	v4 =	vsel vm0, v7, v4;
	v3 =	vsel vm15, v3, v11;
	v7 =	vld [tilespmem:s5+$0x15440];
	s18 =	spop (v2sf)  }
0x167: {  	vm0 =	vlt.s32 v4, v5;
	vm15 =	vgt.s32 v3, v8;
	v10 =	vld [tilespmem:s5+$0x17A80];
	s20 =	spop (v2sf)  }
0x168: {  	v4 =	vsel vm0, v4, v5;
	v3 =	vsel vm15, v3, v8;
	v5 =	vld [tilespmem:s5+$0x15660];
	s22 =	spop (v2sf)  }
0x169: {  	vm0 =	vlt.s32 v4, v6;
	vm15 =	vgt.s32 v3, v9;
	s23 =	spop (v2sf)  }
0x16a: {  	v4 =	vsel vm0, v4, v6;
	v3 =	vsel vm15, v3, v9;
	v6 =	vld [tilespmem:s5+$0x15880];
	s26 =	spop (v2sf)  }
0x16b: {  	vm0 =	vlt.s32 v4, v7;
	vm15 =	vgt.s32 v3, v2;
	s28 =	spop (v2sf);
	(drf) =	srem.u32 s26, s25  }
0x16c: {  	v4 =	vsel vm0, v4, v7;
	v2 =	vsel vm15, v3, v2;
	(drf) =	srem.u32 s28, s15;
	s25 =	spop (v2sf)  }
0x16d: {  	s15 =	sshra.s32 s9, $0x2;
	vm0 =	vlt.s32 v4, v5;
	vm15 =	vgt.s32 v2, v10;
	(drf) =	srem.u32 s25, s24;
	s24 =	spop (v2sf)  }
0x16e: {  	s3 =	sadd.s32 $0x10, s3;
	v3 =	vld [tilespmem:s15+$0x15AA0];
	v4 =	vsel vm0, v4, v5;
	v2 =	vsel vm15, v2, v10;
	(drf) =	srem.u32 s24, s21;
	s21 =	spop (v2sf)  }
0x16f: {  	v8 =	vmov s3;
	v5 =	vld [tilespmem:s15+$0x15CC0];
	vm0 =	vlt.s32 v4, v6;
	v7 =	vshra.s32 v2, $0x1F;
	(drf) =	srem.u32 s21, s19;
	s19 =	spop (v2sf)  }
0x170: {  	v9 =	vld [tilespmem:s15+$0x138A0];
	v4 =	vsel vm0, v4, v6;
	v2 =	vor.u32 v7, v2;
	v6 =	vmul.u32 $0x9E3779B9, v8;
	(drf) =	srem.u32 s19, s14;
	s14 =	spop (v2sf)  }
0x171: {  	v7 =	vld [tilespmem:s15+$0x13AC0];
	v2 =	vsub.s32 v2, v4;
	(drf) =	srem.u32 s14, s13;
	s13 =	spop (v2sf)  }
0x172: {  	v2 =	vadd.s32 $0x1, v2;
	v6 =	vbroadcast v6, $0x0;
	(drf) =	srem.u32 s13, s12;
	s12 =	spop (v2sf)  }
0x173: {  	vm1 =	vcmask $0x1B18;
	vm0 =	vgt.s32 v2, $0x1;
	(drf) =	srem.u32 s12, s11;
	s11 =	spop (v2sf)  }
0x174: {  	v8 =	vld [tilespmem:s15+$0x15EE0];
	v10 =	vnsel vm0, $0x1, v2;
	v2 =	vadd.s32 v1, v6;
	s12 =	spop (drf);
	(drf) =	srem.u32 s11, s10;
	vm0 =	vgt.s32 v3, v5  }
0x175: {  	v6 =	vld [tilespmem:s15+$0x13CE0];
	(v2sf) =	vpush v10, $0xE;
	v11 =	vmov s12;
	s10 =	spop (drf);
	(drf) =	srem.u32 s23, s8;
	v3 =	vsel vm0, v3, v5  }
0x176: {  	vm15 =	vlt.s32 v9, v7;
	(v2sf) =	vpush v10, $0xD;
	v11 =	vsel vm3, s10, v11;
	s8 =	spop (drf);
	(drf) =	srem.u32 s22, s7  }
0x177: {  	v2 =	vxor.u32 v2, v4;
	(v2sf) =	vpush v10, $0xC;
	v5 =	vsel vm2, s8, v11;
	s7 =	spop (drf);
	(drf) =	srem.u32 s20, s6  }
0x178: {  	v7 =	vsel vm15, v9, v7;
	(v2sf) =	vpush v10, $0xB;
	v5 =	vsel vm13, s7, v5;
	s6 =	spop (drf);
	(drf) =	srem.u32 s18, s2  }
0x179: {  	vm0 =	vgt.s32 v3, v8;
	(v2sf) =	vpush v10, $0xA;
	v5 =	vsel vm6, s6, v5;
	s2 =	spop (drf);
	(drf) =	srem.u32 s17, s1  }
0x17a: {  	vm15 =	vlt.s32 v7, v6;
	(v2sf) =	vpush v10, $0x9;
	v5 =	vsel vm4, s2, v5;
	s1 =	spop (drf);
	(drf) =	srem.u32 s16, s0  }
0x17b: {  	v9 =	vshrl.u32 v2, $0x10;
	(v2sf) =	vpush v10, $0x8;
	v5 =	vsel vm7, s1, v5;
	s0 =	spop (drf)  }
0x17c: {  	(v2sf) =	vpush v10, $0x7;
	v5 =	vsel vm1, s0, v5;
	s0 =	spop (drf);
	vm1 =	vcmask $0x1F1C  }
0x17d: {  	v2 =	vxor.u32 v2, v9;
	(v2sf) =	vpush v10, $0x6;
	v5 =	vsel vm1, s0, v5;
	s0 =	spop (drf)  }
0x17e: {  	v2 =	vmul.u32 $0x85EBCA6B, v2;
	(v2sf) =	vpush v10, $0x5;
	v5 =	vsel vm5, s0, v5;
	s0 =	spop (drf)  }
0x17f: {  	v3 =	vsel vm0, v3, v8;
	(v2sf) =	vpush v10, $0x4;
	v5 =	vsel vm8, s0, v5;
	s0 =	spop (drf)  }
0x180: {  	v8 =	vshrl.u32 v2, $0xD;
	(v2sf) =	vpush v10, $0x3;
	v5 =	vsel vm9, s0, v5;
	s0 =	spop (drf)  }
0x181: {  	v2 =	vxor.u32 v2, v8;
	v9 =	vld [tilespmem:s15+$0x16100];
	(v2sf) =	vpush v10, $0x2;
	v5 =	vsel vm11, s0, v5;
	s0 =	spop (drf)  }
0x182: {  	v2 =	vmul.u32 $0xC2B2AE35, v2;
	v8 =	vld [tilespmem:s15+$0x16320];
	(v2sf) =	vpush v10, $0x1;
	v5 =	vsel vm12, s0, v5;
	s0 =	spop (drf)  }
0x183: {  	vm0 =	veq.s32 v0, $0x7FFFFFFF;
	v11 =	vld [tilespmem:s15+$0x13F00];
	(v2sf) =	vpush v10, $0x0;
	v5 =	vsel vm10, s0, v5;
	s1 =	spop (drf)  }
0x184: {  	v13 =	vshrl.u32 v2, $0x10;
	v2 =	vand.u32 $0x7FFFFFFF, v2;
	v12 =	vld [tilespmem:s15+$0x16540];
	s0 =	spop (v2sf);
	v5 =	vsel vm14, s1, v5  }
0x185: {  	v2 =	vxor.u32 v13, v2;
	v14 =	vld [tilespmem:s15+$0x14120];
	(v2sf) =	vpush v10, $0xF;
	s1 =	spop (v2sf);
	v5 =	vadd.s32 v0, v5;
	v0 =	vmovc v4  }
0x186: {  	vm1 =	vgt.s32 v3, v9;
	v13 =	vld [tilespmem:s15+$0x16760];
	s2 =	spop (v2sf);
	(v2sf) =	vpush v2, $0xE;
	v4 =	vsel vm0, $0x7FFFFFFF, v5  }
0x187: {  	v5 =	vsel vm15, v7, v6;
	v6 =	vsel vm1, v3, v9;
	v9 =	vld [tilespmem:s15+$0x14340];
	s6 =	spop (v2sf);
	(v2sf) =	vpush v2, $0xD;
	[tilespmem:s4+$0x17CA0] =	vst v4;
	s4 =	smov.u32 s5;
	s5 =	smov.u32 s15  }
0x188: {  	vm0 =	vlt.s32 v5, v11;
	vm1 =	vgt.s32 v6, v8;
	v3 =	vld [tilespmem:s5+$0x16980];
	s7 =	spop (v2sf);
	(v2sf) =	vpush v2, $0xC  }
0x189: {  	v5 =	vsel vm0, v5, v11;
	v6 =	vsel vm1, v6, v8;
	v7 =	vld [tilespmem:s5+$0x14560];
	s8 =	spop (v2sf);
	(v2sf) =	vpush v2, $0xB  }
.Ltmp2:
0x18a: {  	vm0 =	vlt.s32 v5, v14;
	vm1 =	vgt.s32 v6, v12;
	v4 =	vld [tilespmem:s5+$0x16BA0];
	s10 =	spop (v2sf);
	(v2sf) =	vpush v2, $0xA;
	(pc) =	sbr.rel @p0 .LBB2_5-.Ltmp2, $4  }
0x18b: {  	v10 =	vsel vm0, v5, v14;
	v6 =	vsel vm1, v6, v12;
	v8 =	vld [tilespmem:s5+$0x14780];
	s11 =	spop (v2sf);
	(v2sf) =	vpush v2, $0x9  }
0x18c: {  	vm0 =	vlt.s32 v10, v9;
	vm1 =	vgt.s32 v6, v13;
	v5 =	vld [tilespmem:s5+$0x16DC0];
	(v2sf) =	vpush v2, $0xF;
	s12 =	spop (v2sf)  }
0x18d: {  	v10 =	vsel vm0, v10, v9;
	v11 =	vsel vm1, v6, v13;
	v9 =	vld [tilespmem:s5+$0x149A0];
	(v2sf) =	vpush v2, $0x0;
	s13 =	spop (v2sf)  }
0x18e: {  	s9 =	sadd.s32 $0x40, s9;
	vm15 =	vlt.s32 v10, v7;
	vm0 =	vgt.s32 v11, v3;
	v6 =	vld [tilespmem:s5+$0x16FE0];
	(v2sf) =	vpush v2, $0x1;
	s14 =	spop (v2sf)  }
0x18f: {  	v7 =	vsel vm15, v10, v7;
	v3 =	vsel vm0, v11, v3;
	v39 =	vld [tilespmem:s5+$0x14BC0];
	(v2sf) =	vpush v2, $0x2  }
0x190: {  	s9 =	spop (v2sf);
	v40 =	vld [tilespmem:s5+$0x17200];
	vm15 =	vlt.s32 v7, v8;
	(v2sf) =	vpush v2, $0x3;
	vm1 =	vgt.s32 v3, v4  }
0x191: {  	v41 =	vld [tilespmem:s5+$0x14DE0];
	s15 =	spop (v2sf);
	v7 =	vsel vm15, v7, v8;
	v3 =	vsel vm1, v3, v4;
	(v2sf) =	vpush v2, $0x4  }
0x192: {  	v42 =	vld [tilespmem:s5+$0x17420];
	s16 =	spop (v2sf);
	vm0 =	vlt.s32 v7, v9;
	(v2sf) =	vpush v2, $0x5;
	vm1 =	vgt.s32 v3, v5  }
0x193: {  	v43 =	vld [tilespmem:s5+$0x15000];
	s17 =	spop (v2sf);
	v7 =	vsel vm0, v7, v9;
	v3 =	vsel vm1, v3, v5;
	(v2sf) =	vpush v2, $0x6  }
0x194: {  	v44 =	vld [tilespmem:s5+$0x17640];
	vm0 =	vlt.s32 v7, v39;
	s21 =	spop (v2sf);
	(v2sf) =	vpush v2, $0x7;
	vm1 =	vgt.s32 v3, v6  }
0x195: {  	v45 =	vld [tilespmem:s5+$0x15220];
	v7 =	vsel vm0, v7, v39;
	v3 =	vsel vm1, v3, v6;
	(v2sf) =	vpush v2, $0x8;
	s18 =	spop (v2sf)  }
0x196: {  	v46 =	vld [tilespmem:s5+$0x17860];
	vm0 =	vlt.s32 v7, v41;
	s19 =	spop (v2sf);
	vm1 =	vgt.s32 v3, v40  }
0x197: {  	v47 =	vld [tilespmem:s5+$0x15440];
	v4 =	vsel vm0, v7, v41;
	v3 =	vsel vm1, v3, v40;
	s20 =	spop (v2sf)  }
0x198: {  	v48 =	vld [tilespmem:s5+$0x17A80];
	vm0 =	vlt.s32 v4, v43;
	s22 =	spop (v2sf);
	vm1 =	vgt.s32 v3, v42  }
0x199: {  	v49 =	vld [tilespmem:s5+$0x15660];
	v4 =	vsel vm0, v4, v43;
	v3 =	vsel vm1, v3, v42;
	s23 =	spop (v2sf)  }
0x19a: {  	vm0 =	vlt.s32 v4, v45;
	vm1 =	vgt.s32 v3, v44;
	s24 =	spop (v2sf)  }
0x19b: {  	v50 =	vld [tilespmem:s5+$0x15880];
	v4 =	vsel vm0, v4, v45;
	v3 =	vsel vm1, v3, v44;
	s25 =	spop (v2sf)  }
0x19c: {  	(drf) =	srem.u32 s25, s21;
	vm0 =	vlt.s32 v4, v47;
	vm1 =	vgt.s32 v3, v46;
	s29 =	spop (v2sf)  }
0x19d: {  	(drf) =	srem.u32 s29, s17;
	v4 =	vsel vm0, v4, v47;
	v2 =	vsel vm1, v3, v46;
	s30 =	spop (v2sf)  }
0x19e: {  	(drf) =	srem.u32 s30, s16;
	vm0 =	vlt.s32 v4, v49;
	s31 =	spop (v2sf);
	vm1 =	vgt.s32 v2, v48  }
0x19f: {  	v51 =	vsel vm0, v4, v49;
	v52 =	vsel vm1, v2, v48;
	(drf) =	srem.u32 s31, s15;
	s16 =	spop (v2sf)  }
0x1a0: {  	vm0 =	vlt.s32 v51, v50;
	v53 =	vshra.s32 v52, $0x1F;
	(drf) =	srem.u32 s16, s9;
	s17 =	spop (v2sf)  }
0x1a1: {  	v54 =	vsel vm0, v51, v50;
	v55 =	vor.u32 v53, v52;
	(drf) =	srem.u32 s17, s14;
	s21 =	spop (v2sf)  }
0x1a2: {  	v3 =	vsub.s32 v55, v54;
	(drf) =	srem.u32 s21, s13;
	s25 =	spop (v2sf)  }
0x1a3: {  	v3 =	vadd.s32 $0x1, v3;
	(drf) =	srem.u32 s25, s12;
	s26 =	spop (v2sf)  }
0x1a4: {  	s3 =	sadd.s32 $0x10, s3;
	vm15 =	vgt.s32 v3, $0x1;
	(drf) =	srem.u32 s26, s11;
	s28 =	spop (v2sf)  }
0x1a5: {  	v56 =	vmov s3;
	v3 =	vnsel vm15, $0x1, v3;
	s16 =	spop (drf);
	(drf) =	srem.u32 s28, s10  }
0x1a6: {  	v4 =	vmul.u32 $0x9E3779B9, v56;
	(v2sf) =	vpush v3, $0xE;
	s17 =	spop (drf);
	(drf) =	srem.u32 s24, s8  }
0x1a7: {  	(v2sf) =	vpush v3, $0xD;
	s14 =	spop (drf);
	(drf) =	srem.u32 s23, s7  }
0x1a8: {  	v4 =	vbroadcast v4, $0x0;
	(v2sf) =	vpush v3, $0xC;
	s15 =	spop (drf);
	(drf) =	srem.u32 s22, s6  }
0x1a9: {  	(v2sf) =	vpush v3, $0xB;
	s29 =	spop (drf);
	(drf) =	srem.u32 s20, s2  }
0x1aa: {  	v1 =	vadd.s32 v1, v4;
	(v2sf) =	vpush v3, $0xA;
	s30 =	spop (drf);
	(drf) =	srem.u32 s19, s1  }
0x1ab: {  	v1 =	vxor.u32 v1, v54;
	(v2sf) =	vpush v3, $0x9;
	s31 =	spop (drf);
	(drf) =	srem.u32 s18, s0  }
0x1ac: {  	v57 =	vshrl.u32 v1, $0x10;
	(v2sf) =	vpush v3, $0x8;
	s2 =	spop (drf)  }
0x1ad: {  	v1 =	vxor.u32 v1, v57;
	(v2sf) =	vpush v3, $0x7;
	s3 =	spop (drf)  }
0x1ae: {  	v1 =	vmul.u32 $0x85EBCA6B, v1;
	(v2sf) =	vpush v3, $0x6;
	s12 =	spop (drf)  }
0x1af: {  	(v2sf) =	vpush v3, $0x5;
	s13 =	spop (drf)  }
0x1b0: {  	v58 =	vshrl.u32 v1, $0xD;
	(v2sf) =	vpush v3, $0x4;
	s6 =	spop (drf)  }
0x1b1: {  	v1 =	vxor.u32 v1, v58;
	(v2sf) =	vpush v3, $0x3;
	s7 =	spop (drf)  }
0x1b2: {  	v1 =	vmul.u32 $0xC2B2AE35, v1;
	(v2sf) =	vpush v3, $0x2;
	s8 =	spop (drf)  }
0x1b3: {  	(v2sf) =	vpush v3, $0x1;
	s9 =	spop (drf)  }
0x1b4: {  	v59 =	vshrl.u32 v1, $0x10;
	v1 =	vand.u32 $0x7FFFFFFF, v1;
	(v2sf) =	vpush v3, $0x0;
	s10 =	spop (drf)  }
0x1b5: {  	v1 =	vxor.u32 v59, v1;
	s18 =	spop (v2sf);
	(v2sf) =	vpush v3, $0xF  }
0x1b6: {  	s19 =	spop (v2sf);
	(v2sf) =	vpush v1, $0xE  }
0x1b7: {  	s20 =	spop (v2sf);
	(v2sf) =	vpush v1, $0xD  }
0x1b8: {  	s21 =	spop (v2sf);
	(v2sf) =	vpush v1, $0xC  }
0x1b9: {  	s22 =	spop (v2sf);
	(v2sf) =	vpush v1, $0xB  }
0x1ba: {  	(v2sf) =	vpush v1, $0xA;
	s23 =	spop (v2sf)  }
0x1bb: {  	(v2sf) =	vpush v1, $0x9;
	s24 =	spop (v2sf)  }
0x1bc: {  	(v2sf) =	vpush v1, $0xF;
	s25 =	spop (v2sf)  }
0x1bd: {  	(v2sf) =	vpush v1, $0x0;
	s26 =	spop (v2sf)  }
0x1be: {  	(v2sf) =	vpush v1, $0x1;
	s28 =	spop (v2sf)  }
0x1bf: {  	[dreg:$0x1b] =	wrdreg s29;
	(v2sf) =	vpush v1, $0x2;
	s29 =	spop (v2sf)  }
0x1c0: {  	[dreg:$0x1c] =	wrdreg s30;
	(v2sf) =	vpush v1, $0x3;
	s30 =	spop (v2sf)  }
0x1c1: {  	[dreg:$0x16] =	wrdreg s31;
	(v2sf) =	vpush v1, $0x4;
	s31 =	spop (v2sf)  }
0x1c2: {  	[dreg:$0x1d] =	wrdreg s2;
	(v2sf) =	vpush v1, $0x5;
	s2 =	spop (v2sf)  }
0x1c3: {  	(v2sf) =	vpush v1, $0x6;
	s1 =	spop (v2sf)  }
0x1c4: {  	s0 =	spop (v2sf)  }
0x1c5: {  	[dreg:$0x15] =	wrdreg s10;
	(v2sf) =	vpush v1, $0x7;
	s10 =	spop (v2sf)  }
0x1c6: {  	[dreg:$0x1a] =	wrdreg s9;
	(v2sf) =	vpush v1, $0x8;
	s9 =	spop (v2sf)  }
0x1c7: {  	[dreg:$0x19] =	wrdreg s8;
	s8 =	spop (v2sf)  }
0x1c8: {  	[dreg:$0x18] =	wrdreg s7;
	s7 =	spop (v2sf)  }
0x1c9: {  	[dreg:$0x17] =	wrdreg s6;
	s6 =	spop (v2sf)  }
0x1ca: {  	[dreg:$0x1e] =	wrdreg s3;
	s3 =	spop (v2sf)  }
0x1cb: {  	s11 =	spop (v2sf)  }
0x1cc: {  	(drf) =	srem.u32 s11, s0;
	s11 =	spop (v2sf)  }
0x1cd: {  	(drf) =	srem.u32 s11, s1;
	s1 =	spop (v2sf)  }
0x1ce: {  	(drf) =	srem.u32 s1, s2;
	s2 =	spop (v2sf)  }
0x1cf: {  	(drf) =	srem.u32 s2, s31;
	s11 =	spop (v2sf)  }
0x1d0: {  	(drf) =	srem.u32 s11, s30;
	s31 =	spop (v2sf)  }
0x1d1: {  	(drf) =	srem.u32 s31, s29;
	s1 =	spop (v2sf)  }
0x1d2: {  	(drf) =	srem.u32 s1, s28;
	s2 =	spop (v2sf)  }
0x1d3: {  	s31 =	rddreg [dreg:$0x1b];
	(drf) =	srem.u32 s2, s26  }
0x1d4: {  	s11 =	spop (v2sf);
	s2 =	rddreg [dreg:$0x1c]  }
0x1d5: {  	(drf) =	srem.u32 s11, s25;
	s25 =	spop (v2sf)  }
0x1d6: {  	(drf) =	srem.u32 s25, s24;
	s26 =	spop (drf)  }
0x1d7: {  	v60 =	vmov s16;
	(drf) =	srem.u32 s3, s23;
	v61 =	vmov s26;
	s28 =	spop (drf)  }
0x1d8: {  	v1 =	vsel vm3, s17, v60;
	(drf) =	srem.u32 s6, s22;
	v3 =	vsel vm3, s28, v61;
	s29 =	spop (drf)  }
0x1d9: {  	v1 =	vsel vm2, s14, v1;
	s6 =	rddreg [dreg:$0x16];
	v3 =	vsel vm2, s29, v3;
	s30 =	spop (drf)  }
0x1da: {  	v1 =	vsel vm13, s15, v1;
	(drf) =	srem.u32 s7, s21;
	v3 =	vsel vm13, s30, v3;
	s1 =	spop (drf)  }
0x1db: {  	v1 =	vsel vm6, s31, v1;
	(drf) =	srem.u32 s8, s20;
	v3 =	vsel vm6, s1, v3;
	s3 =	spop (drf)  }
0x1dc: {  	v1 =	vsel vm4, s2, v1;
	(drf) =	srem.u32 s9, s19;
	v3 =	vsel vm4, s3, v3;
	s7 =	spop (drf)  }
0x1dd: {  	v1 =	vsel vm7, s6, v1;
	s8 =	rddreg [dreg:$0x1d];
	(drf) =	srem.u32 s10, s18;
	v3 =	vsel vm7, s7, v3;
	vm7 =	vcmask $0x1B18  }
0x1de: {  	vm13 =	vcmask $0x1F1C;
	s10 =	rddreg [dreg:$0x1e];
	s9 =	spop (drf);
	v1 =	vsel vm7, s8, v1  }
0x1df: {  	v3 =	vsel vm7, s9, v3;
	s11 =	spop (drf);
	v1 =	vsel vm13, s10, v1  }
0x1e0: {  	v3 =	vsel vm13, s11, v3;
	s14 =	spop (drf);
	v1 =	vsel vm5, s12, v1  }
0x1e1: {  	s16 =	rddreg [dreg:$0x17];
	v3 =	vsel vm5, s14, v3;
	s15 =	spop (drf);
	v1 =	vsel vm8, s13, v1  }
0x1e2: {  	s18 =	rddreg [dreg:$0x18];
	v3 =	vsel vm8, s15, v3;
	s17 =	spop (drf);
	v1 =	vsel vm9, s16, v1  }
0x1e3: {  	s20 =	rddreg [dreg:$0x19];
	v3 =	vsel vm9, s17, v3;
	s19 =	spop (drf);
	v1 =	vsel vm11, s18, v1  }
0x1e4: {  	s22 =	rddreg [dreg:$0x1a];
	v3 =	vsel vm11, s19, v3;
	s21 =	spop (drf);
	v1 =	vsel vm12, s20, v1  }
0x1e5: {  	s24 =	rddreg [dreg:$0x15];
	v3 =	vsel vm12, s21, v3;
	s23 =	spop (drf);
	v1 =	vsel vm10, s22, v1  }
0x1e6: {  	v3 =	vsel vm10, s23, v3;
	s25 =	spop (drf);
	v1 =	vsel vm14, s24, v1  }
0x1e7: {  	v3 =	vsel vm14, s25, v3;
	vm14 =	veq.s32 v0, $0x7FFFFFFF;
	v62 =	vadd.s32 v0, v1  }
0x1e8: {  	vm15 =	veq.s32 v54, $0x7FFFFFFF;
	v63 =	vadd.s32 v54, v3;
	v0 =	vsel vm14, $0x7FFFFFFF, v62  }
0x1e9: {  	s26 =	simm.s32 $0x0;
	v1 =	vsel vm15, $0x7FFFFFFF, v63;
	[tilespmem:s4+$0x17CA0] =	vst v0  }
0x1ea: {  	s28 =	simm.s32 $0x17CA0;
	s29 =	rddreg [dreg:$0x5];
	s30 =	simm.s32 $0x1;
	[tilespmem:s5+$0x17CA0] =	vst v1  }
0x1eb: {  	[hbm4b:s29+s26] =	stream.linear.scatter [tilespmem:s28], [sflag:$0x1], $0x220, $0x38;
	[tilespmem:$0x1C2C0] =	vst v63  }
0x1ec: {  	_ =	swait.ge [sflag:s30], $0x220  }
0x1ed: {  	[sflag:s30] =	ssyncset.done $0x0  }
0x1ee: {  	[sflag:s30] =	ssyncadd.s32 $0xFFFFFDE0  }
0x1ef: {  	_ =	sfence.sel $0x180000  }
0x1f0: {  	[bflag:$0x0] =	sbarrier.arrive $0xFFFF  }
0x1f1: {  	_ =	strace $0x90000047  }
0x1f2: {  	s31 =	stileid.u32;
	[bflag:$0x2] =	sbarrier.arrive $0xFFFF  }
0x1f3: {  	p0 =	sne.s32 s31, $0x0;
	s0 =	rddreg [dreg:$0x4]  }
0x1f4: {  	s0 =	sadd.s32 @!p0 $0x100000, s0  }
0x1f5: {  	[sflag:s0] =	ssyncadd.tile.s32 @!p0 $0x1;
	_ =	shalt  }
.Lfunc_end2:
_tile_overlayer_lowered:
.L_overlay_start_2:
0x1f6: {  	(tag) =	ssettag $0x2  }
0x1f7: {  	s0 =	rddreg [dreg:$0x0];
	s2 =	stileid.u32  }
0x1f8: {  	s1 =	rddreg [dreg:$0x1];
	p0 =	sne.s32 s2, $0x0  }
0x1f9: {  	s3 =	rddreg [dreg:$0x2];
	[bflag:$0x3] =	sbarrier.arrive $0xFFFF;
	s2 =	simm.s32 @!p0 $0x1C01  }
0x1fa: {  	[timem:s3], [sflag:s2] =	dma.local @!p0 [hbm:s0], s1  }
0x1fb: {  	s0 =	simm.s32 @!p0 $0x1  }
0x1fc: {  	_ =	swait.ge @!p0 [sflag:s0], s1  }
0x1fd: {  	s1 =	ssub.s32 @!p0 $0x0, s1;
	[sflag:s0] =	ssyncset.done @!p0 $0x0  }
0x1fe: {  	[sflag:s0] =	ssyncadd.s32 @!p0 s1  }
0x1ff: {  	[bflag:$0x3] =	sbarrier.arrive $0xFFFF  }
0x200: {  	_ =	shalt  }

</sc_bundles>
